<compile_context>
chip_gen: v7x
topology: tpu7x:2x2x1
jax: 0.10.2.dev20260603
libtpu: 0.0.44.dev20260713+nightly
codegen_flags: <defaults>
</compile_context>

<pallas_src>
import functools

import numpy as np
import jax
import jax.numpy as jnp
from jax import lax
from jax.experimental import pallas as pl
from jax.experimental.pallas import tpu as pltpu, tpu_sc as plsc

_N = 14336
_E = 458752
_IN = 128
_HID = 32
_AD = 14
_B = _N // _AD
_NP = _AD * _AD
_NE = _AD * (_AD - 1)

_NSC = 2
_NT = 16
_E32 = _E // (_NSC * _NT)
_HF = _IN // 2
_EC = _E // _NT
_CH = 128
_NCH = _EC // _CH
_RPT = _N // _NT

_ROWS_A = 56
_RB = _N // _ROWS_A
_G = 64
_GSTEPS = _B // _G
_JP = 16
_NPP = _AD * _JP
_GS = 16
_SUB = _G // _GS

_MASK = np.zeros((1, _NPP), np.float32)
for _i in range(_AD):
    for _j in range(_AD):
        if _i != _j:
            _MASK[0, _i * _JP + _j] = 1.0

_E1 = np.zeros((_GS * _NPP, _GS * _AD), np.float32)
_E2 = np.zeros((_GS * _NPP, _GS * _AD), np.float32)
for _g in range(_GS):
    for _i in range(_AD):
        for _j in range(_JP):
            _r = _g * _NPP + _i * _JP + _j
            _E1[_r, _g * _AD + _i] = 1.0
            if _j < _AD:
                _E2[_r, _g * _AD + _j] = 1.0


def _eps_consts():
    eps182 = jax.random.normal(jax.random.key(42), (_B, _NE), dtype=jnp.float32)
    eps_r = eps182.reshape(_B, _AD - 1, _AD)
    buf = jnp.concatenate(
        [eps_r, jnp.zeros((_B, _AD - 1, 1), jnp.float32)], axis=2)
    grid196 = jnp.concatenate(
        [jnp.zeros((_B, 1), jnp.float32), buf.reshape(_B, _NP - 1)], axis=1)
    grid224 = jnp.concatenate(
        [grid196.reshape(_B, _AD, _AD),
         jnp.zeros((_B, _AD, _JP - _AD), jnp.float32)], axis=2)
    lpc = ((-0.5 * eps182 * eps182).sum(axis=1)
           - _NE * 0.5 * np.log(2.0 * np.pi)).reshape(_B, 1)
    return grid224.reshape(_B, _NPP), lpc


def _deg_body(edst_hbm, out_hbm, idx_v, deg_v):
    c = lax.axis_index("c")
    s = lax.axis_index("s")
    wid = s * _NSC + c
    pltpu.sync_copy(edst_hbm.at[wid], idx_v)
    z16 = jnp.zeros((16,), jnp.float32)

    @pl.loop(0, _N // 16)
    def _zero(i):
        deg_v[pl.ds(i * 16, 16)] = z16

    ones16 = jnp.ones((16,), jnp.float32)

    @pl.loop(0, _E32 // 16)
    def _acc(i):
        idx = idx_v[pl.ds(i * 16, 16)]
        plsc.addupdate_scatter(deg_v, [idx], ones16)

    pltpu.sync_copy(deg_v, out_hbm.at[wid])


@functools.cache
def _deg_call():
    return pl.kernel(
        _deg_body,
        out_type=jax.ShapeDtypeStruct((_NSC * _NT, _N), jnp.float32),
        mesh=plsc.VectorSubcoreMesh(core_axis_name="c", subcore_axis_name="s",
                                    num_cores=_NSC, num_subcores=_NT),
        scratch_types=[
            pltpu.VMEM((_E32,), jnp.int32),
            pltpu.VMEM((_N,), jnp.float32),
        ],
        compiler_params=pltpu.CompilerParams(needs_layout_passes=False,
                                             use_tc_tiling_on_sc=False),
    )


def _scat_body(y0_hbm, y1_hbm, esrc_hbm, edst_hbm, out_hbm, src_v, dst_v,
               rows_a, rows_b, z_sh, sem_a, sem_b):
    c = lax.axis_index("c")
    s = lax.axis_index("s")
    pltpu.sync_copy(esrc_hbm.at[s], src_v)
    pltpu.sync_copy(edst_hbm.at[s], dst_v)

    z16 = jnp.zeros((16,), jnp.float32)

    @pl.loop(0, _CH)
    def _zrow(i):
        @pl.loop(0, _HF // 16)
        def _zcol(j):
            rows_a[i, pl.ds(j * 16, 16)] = z16

    @pl.loop(0, _RPT // _CH)
    def _zacc(k):
        pltpu.sync_copy(rows_a, z_sh.at[pl.ds(s * _RPT + k * _CH, _CH)])

    plsc.subcore_barrier()

    def _gather(j, buf, sem):
        @pl.when(c == 0)
        def _g0():
            pltpu.async_copy(y0_hbm.at[src_v.at[j]], buf, sem)

        @pl.when(c == 1)
        def _g1():
            pltpu.async_copy(y1_hbm.at[src_v.at[j]], buf, sem)

    def _drain(buf, sem):
        pltpu.make_async_copy(y0_hbm.at[src_v.at[0]], buf, sem).wait()

    _gather(0, rows_a, sem_a)

    @pl.loop(0, _NCH // 2)
    def _edges(jj):
        j = jj * 2
        _gather(j + 1, rows_b, sem_b)
        _drain(rows_a, sem_a)
        pltpu.sync_copy(rows_a, z_sh.at[dst_v.at[j]], add=True)

        @pl.when(jj < _NCH // 2 - 1)
        def _next():
            _gather(j + 2, rows_a, sem_a)

        _drain(rows_b, sem_b)
        pltpu.sync_copy(rows_b, z_sh.at[dst_v.at[j + 1]], add=True)

    plsc.subcore_barrier()

    @pl.loop(0, _RPT // _CH)
    def _dump(k):
        r = s * _RPT + k * _CH
        pltpu.sync_copy(z_sh.at[pl.ds(r, _CH)], out_hbm.at[c, pl.ds(r, _CH)])


@functools.cache
def _scat_call():
    return pl.kernel(
        _scat_body,
        out_type=jax.ShapeDtypeStruct((_NSC, _N, _HF), jnp.float32),
        mesh=plsc.VectorSubcoreMesh(core_axis_name="c", subcore_axis_name="s",
                                    num_cores=_NSC, num_subcores=_NT),
        scratch_types=[
            pltpu.VMEM((_NCH, _CH), jnp.int32),
            pltpu.VMEM((_NCH, _CH), jnp.int32),
            pltpu.VMEM((_CH, _HF), jnp.float32),
            pltpu.VMEM((_CH, _HF), jnp.float32),
            pltpu.VMEM_SHARED((_N, _HF), jnp.float32),
            pltpu.SemaphoreType.DMA,
            pltpu.SemaphoreType.DMA,
        ],
        compiler_params=pltpu.CompilerParams(needs_layout_passes=False,
                                             use_tc_tiling_on_sc=False),
    )


def _a_body(degp_ref, state_ref, wg_ref, y0_ref, y1_ref, dis_ref):
    deg = jnp.sum(degp_ref[...], axis=0) + 1.0
    dis = lax.rsqrt(deg)
    xw = jnp.dot(state_ref[...], wg_ref[...], preferred_element_type=jnp.float32)
    y = xw * dis[:, None]
    y0_ref[...] = y[:, :_HF]
    y1_ref[...] = y[:, _HF:]
    dis_ref[...] = dis[:, None]


_a_call = pl.pallas_call(
    _a_body,
    grid=(_ROWS_A,),
    in_specs=[
        pl.BlockSpec((_NSC * _NT, _RB), lambda i: (0, i)),
        pl.BlockSpec((_RB, _IN), lambda i: (i, 0)),
        pl.BlockSpec((_IN, _IN), lambda i: (0, 0)),
    ],
    out_specs=[
        pl.BlockSpec((_RB, _HF), lambda i: (i, 0)),
        pl.BlockSpec((_RB, _HF), lambda i: (i, 0)),
        pl.BlockSpec((_RB, 1), lambda i: (i, 0)),
    ],
    out_shape=[
        jax.ShapeDtypeStruct((_N, _HF), jnp.float32),
        jax.ShapeDtypeStruct((_N, _HF), jnp.float32),
        jax.ShapeDtypeStruct((_N, 1), jnp.float32),
    ],
)


def _b_body(z_ref, y0_ref, y1_ref, dis_ref, state_ref, bg_ref, w1_ref, b1_ref,
            pq_ref):
    zsum = jnp.concatenate(
        [z_ref[0] + y0_ref[...], z_ref[1] + y1_ref[...]], axis=-1)
    out = zsum * dis_ref[...] + bg_ref[...]
    x = jnp.maximum(out, 0.0) + state_ref[...]
    pq_ref[...] = (jnp.dot(x, w1_ref[...], preferred_element_type=jnp.float32)
                   + b1_ref[...])


_b_call = pl.pallas_call(
    _b_body,
    grid=(_ROWS_A,),
    in_specs=[
        pl.BlockSpec((_NSC, _RB, _HF), lambda i: (0, i, 0)),
        pl.BlockSpec((_RB, _HF), lambda i: (i, 0)),
        pl.BlockSpec((_RB, _HF), lambda i: (i, 0)),
        pl.BlockSpec((_RB, 1), lambda i: (i, 0)),
        pl.BlockSpec((_RB, _IN), lambda i: (i, 0)),
        pl.BlockSpec((1, _IN), lambda i: (0, 0)),
        pl.BlockSpec((_IN, 2 * _HID), lambda i: (0, 0)),
        pl.BlockSpec((1, 2 * _HID), lambda i: (0, 0)),
    ],
    out_specs=pl.BlockSpec((_RB, 2 * _HID), lambda i: (i, 0)),
    out_shape=jax.ShapeDtypeStruct((_N, 2 * _HID), jnp.float32),
)


def _softplus(x):
    return jnp.maximum(x, 0.0) + jnp.log1p(jnp.exp(-jnp.abs(x)))


def _c_body(pq_ref, e1_ref, e2_ref, w2_ref, b2_ref, wm_ref, bm_ref, ws_ref,
            bs_ref, eps_ref, cc_ref, mask_ref, act_ref, lp_ref, m_sc, s_sc):
    pq = pq_ref[...]
    parts = []
    for t in range(_SUB):
        sub = pq[t * _GS * _AD:(t + 1) * _GS * _AD, :]
        parts.append(
            jnp.dot(e1_ref[...], sub[:, :_HID],
                    preferred_element_type=jnp.float32)
            + jnp.dot(e2_ref[...], sub[:, _HID:],
                      preferred_element_type=jnp.float32))
    h = jnp.concatenate(parts, axis=0)
    h = jnp.where(h > 0, h, 0.01 * h)
    h = jnp.dot(h, w2_ref[...], preferred_element_type=jnp.float32) + b2_ref[...]
    h = jnp.where(h > 0, h, 0.01 * h)
    h3 = h.reshape(_G, _NPP, _HID)
    m_sc[...] = jnp.sum(h3 * wm_ref[...], axis=2) + bm_ref[0, 0]
    s_sc[...] = jnp.sum(h3 * ws_ref[...], axis=2) + bs_ref[0, 0]
    mu = _softplus(m_sc[...])
    sd = _softplus(s_sc[...])
    act_ref[...] = mu + sd * eps_ref[...]
    lp_ref[...] = cc_ref[...] - jnp.sum(jnp.log(sd) * mask_ref[...], axis=1,
                                        keepdims=True)


_c_call = pl.pallas_call(
    _c_body,
    grid=(_GSTEPS,),
    in_specs=[
        pl.BlockSpec((_G * _AD, 2 * _HID), lambda i: (i, 0)),
        pl.BlockSpec((_GS * _NPP, _GS * _AD), lambda i: (0, 0)),
        pl.BlockSpec((_GS * _NPP, _GS * _AD), lambda i: (0, 0)),
        pl.BlockSpec((_HID, _HID), lambda i: (0, 0)),
        pl.BlockSpec((1, _HID), lambda i: (0, 0)),
        pl.BlockSpec((1, _HID), lambda i: (0, 0)),
        pl.BlockSpec((1, 1), lambda i: (0, 0)),
        pl.BlockSpec((1, _HID), lambda i: (0, 0)),
        pl.BlockSpec((1, 1), lambda i: (0, 0)),
        pl.BlockSpec((_G, _NPP), lambda i: (i, 0)),
        pl.BlockSpec((_G, 1), lambda i: (i, 0)),
        pl.BlockSpec((1, _NPP), lambda i: (0, 0)),
    ],
    out_specs=[
        pl.BlockSpec((_G, _NPP), lambda i: (i, 0)),
        pl.BlockSpec((_G, 1), lambda i: (i, 0)),
    ],
    out_shape=[
        jax.ShapeDtypeStruct((_B, _NPP), jnp.float32),
        jax.ShapeDtypeStruct((_B, 1), jnp.float32),
    ],
    scratch_shapes=[
        pltpu.VMEM((_G, _NPP), jnp.float32),
        pltpu.VMEM((_G, _NPP), jnp.float32),
    ],
)


def kernel(state, edge_index, Wg, bg, W1, b1, W2, b2, Wm, bm, Ws, bs):
    edst32 = edge_index[1].reshape(_NSC * _NT, _E32)
    esrc3 = edge_index[0].reshape(_NT, _NCH, _CH)
    edst3 = edge_index[1].reshape(_NT, _NCH, _CH)

    degp = _deg_call()(edst32)
    y0, y1, dis = _a_call(degp, state, Wg)
    z2 = _scat_call()(y0, y1, esrc3, edst3)

    w1cat = jnp.concatenate([W1[:_IN], W1[_IN:]], axis=1)
    b1cat = jnp.concatenate([jnp.zeros((_HID,), jnp.float32), b1]).reshape(1, -1)
    pq = _b_call(z2, y0, y1, dis, state, bg.reshape(1, _IN), w1cat, b1cat)

    eps_grid, lpc = _eps_consts()
    act_grid, lp = _c_call(
        pq, jnp.asarray(_E1), jnp.asarray(_E2), W2, b2.reshape(1, _HID),
        Wm.reshape(1, _HID), bm.reshape(1, 1), Ws.reshape(1, _HID),
        bs.reshape(1, 1), eps_grid, lpc, jnp.asarray(_MASK))

    act196 = act_grid.reshape(_B, _AD, _JP)[:, :, :_AD].reshape(_B, _NP)
    action = act196[:, 1:].reshape(_B, _AD - 1, _AD + 1)[:, :, :_AD]
    action = action.reshape(_B, _NE)
    return (action, jnp.squeeze(lp, -1))

# --- scband reference (transcript-rebuilt; emitter-appended) ---
"""Pipeline reference for scband-gnnactor-1752346657363 (READ-ONLY COPY).

The authoritative reference and input builder live on the scoring server;
editing this copy changes nothing except your own understanding.
"""

import jax, jax.numpy as jnp
import numpy as np

N = 14336
E = 458752
IN_CH = 128
HID = 32
ACT_DIM = 14
B = N // ACT_DIM
EDGES = np.array([(i, j) for i in range(ACT_DIM) for j in range(ACT_DIM) if i != j], dtype=np.int32)


def setup_inputs(seed: int = 0) -> dict:
    key = jax.random.key(seed)
    ks = jax.random.split(key, 12)
    state = jax.random.normal(ks[0], (N, IN_CH), dtype=jnp.float32)
    edge_index = jax.random.randint(ks[1], (2, E), 0, N, dtype=jnp.int32)
    def lin(k, fan_in, shape):
        bound = 1.0 / np.sqrt(fan_in)
        return jax.random.uniform(k, shape, minval=-bound, maxval=bound, dtype=jnp.float32)
    Wg = lin(ks[2], IN_CH, (IN_CH, IN_CH))
    bg = lin(ks[3], IN_CH, (IN_CH,))
    W1 = lin(ks[4], 2 * IN_CH, (2 * IN_CH, HID))
    b1 = lin(ks[5], 2 * IN_CH, (HID,))
    W2 = lin(ks[6], HID, (HID, HID))
    b2 = lin(ks[7], HID, (HID,))
    Wm = lin(ks[8], HID, (HID, 1))
    bm = lin(ks[9], HID, (1,))
    Ws = lin(ks[10], HID, (HID, 1))
    bs = lin(ks[11], HID, (1,))
    return {"state": state, "edge_index": edge_index, "Wg": Wg, "bg": bg,
            "W1": W1, "b1": b1, "W2": W2, "b2": b2,
            "Wm": Wm, "bm": bm, "Ws": Ws, "bs": bs}


def gcn_conv(x, edge_index, W, b):
    n = x.shape[0]
    loop = jnp.arange(n, dtype=edge_index.dtype)
    src = jnp.concatenate([edge_index[0], loop])
    dst = jnp.concatenate([edge_index[1], loop])
    deg = jnp.zeros((n,), x.dtype).at[dst].add(1.0)
    dis = jnp.where(deg > 0, deg ** -0.5, 0.0)
    norm = dis[src] * dis[dst]
    xw = x @ W
    msg = xw[src] * norm[:, None]
    out = jnp.zeros_like(xw).at[dst].add(msg)
    return out + b


def reference(state, edge_index, Wg, bg, W1, b1, W2, b2, Wm, bm, Ws, bs):
    out = jax.nn.relu(gcn_conv(state, edge_index, Wg, bg))
    x = out + state
    x = x.reshape(-1, ACT_DIM, IN_CH)
    esrc = jnp.asarray(EDGES[:, 0])
    edst = jnp.asarray(EDGES[:, 1])
    ef_src = x[:, esrc, :]
    ef_dst = x[:, edst, :]
    ef = jnp.concatenate([ef_src, ef_dst], axis=2)
    h = jax.nn.leaky_relu(ef @ W1 + b1, negative_slope=0.01)
    h = jax.nn.leaky_relu(h @ W2 + b2, negative_slope=0.01)
    log_std = h @ Ws + bs
    mu = h @ Wm + bm
    mu = jax.nn.softplus(mu)
    sigma = jax.nn.softplus(log_std)
    mu = jnp.squeeze(mu, -1)
    std = jnp.squeeze(sigma, -1)
    eps = jax.random.normal(jax.random.key(42), mu.shape, dtype=mu.dtype)
    action = mu + std * eps
    log_prob = (-((action - mu) ** 2) / (2.0 * std ** 2)
                - jnp.log(std) - 0.5 * jnp.log(2.0 * jnp.pi)).sum(axis=-1)
    return (action, log_prob)

if __name__ == "__main__":
    import jax
    _d = setup_inputs()
    print(jax.jit(kernel)(*tuple(_d.values())))

</pallas_src>

<mosaic_0001>
#map = affine_map<(d0, d1) -> (0, 0)>
module attributes {stable_mosaic.version = 14 : i64} {
  func.func @_deg_body(%arg0: i32, %arg1: i32, %arg2: memref<32x14336xi32, #tpu.memory_space<hbm>>, %arg3: memref<32x14336xf32, #tpu.memory_space<hbm>>, %arg4: memref<14336xi32, #tpu.memory_space<vmem>>, %arg5: memref<14336xf32, #tpu.memory_space<vmem>>) attributes {dimension_semantics = [#tpu.dimension_semantics<core_parallel>, #tpu.dimension_semantics<subcore_parallel>], iteration_bounds = array<i64: 2, 16>, scalar_prefetch = 0 : i64, scratch_operands = 2 : i64, tpu.core_type = #tpu.core_type<sc_vector_subcore>, window_params = [{transform_indices = #map}, {transform_indices = #map}]} {
    %mul3A = arith.constant 2 : i32
    %mul3A_0 = arith.muli %arg1, %mul3A : i32
    %add3A = arith.addi %mul3A_0, %arg0 : i32
    "tpu.region"() ({
      %run_scoped3A = tpu.sem_alloc : memref<!tpu.dma_semaphore, #tpu.memory_space<semaphore_mem>>
      %dma_start3A = arith.constant 0 : i32
      %dma_start3A_13 = tpu.memref_slice %arg2[%add3A, %dma_start3A] : memref<32x14336xi32, #tpu.memory_space<hbm>> -> memref<1x14336xi32, #tpu.memory_space<hbm>>
      %dma_start3A_14 = tpu.memref_squeeze %dma_start3A_13 : memref<1x14336xi32, #tpu.memory_space<hbm>> -> memref<14336xi32, #tpu.memory_space<hbm>>
      %dma_start3A_15 = arith.constant 0 : i32
      %dma_start3A_16 = tpu.memref_slice %arg2[%add3A, %dma_start3A_15] : memref<32x14336xi32, #tpu.memory_space<hbm>> -> memref<1x14336xi32, #tpu.memory_space<hbm>>
      %dma_start3A_17 = tpu.memref_squeeze %dma_start3A_16 : memref<1x14336xi32, #tpu.memory_space<hbm>> -> memref<14336xi32, #tpu.memory_space<hbm>>
      tpu.enqueue_dma source(%dma_start3A_17 : memref<14336xi32, #tpu.memory_space<hbm>>) target(%arg4 : memref<14336xi32, #tpu.memory_space<vmem>>) target_semaphore(%run_scoped3A : memref<!tpu.dma_semaphore, #tpu.memory_space<semaphore_mem>>)
      %dma_wait3A = arith.constant 0 : i32
      %dma_wait3A_18 = tpu.memref_slice %arg2[%add3A, %dma_wait3A] : memref<32x14336xi32, #tpu.memory_space<hbm>> -> memref<1x14336xi32, #tpu.memory_space<hbm>>
      %dma_wait3A_19 = tpu.memref_squeeze %dma_wait3A_18 : memref<1x14336xi32, #tpu.memory_space<hbm>> -> memref<14336xi32, #tpu.memory_space<hbm>>
      %dma_wait3A_20 = arith.constant 0 : i32
      %dma_wait3A_21 = tpu.memref_slice %arg2[%add3A, %dma_wait3A_20] : memref<32x14336xi32, #tpu.memory_space<hbm>> -> memref<1x14336xi32, #tpu.memory_space<hbm>>
      %dma_wait3A_22 = tpu.memref_squeeze %dma_wait3A_21 : memref<1x14336xi32, #tpu.memory_space<hbm>> -> memref<14336xi32, #tpu.memory_space<hbm>>
      tpu.wait_dma2 semaphore(%run_scoped3A : memref<!tpu.dma_semaphore, #tpu.memory_space<semaphore_mem>>) src(%dma_wait3A_22 : memref<14336xi32, #tpu.memory_space<hbm>>) dst(%arg4 : memref<14336xi32, #tpu.memory_space<vmem>>)
      tpu.yield
    }) : () -> ()
    %broadcast_in_dim3A = arith.constant 0.000000e+00 : f32
    %broadcast_in_dim3A_1 = vector.broadcast %broadcast_in_dim3A : f32 to vector<16xf32>
    %scan3A = arith.constant 0 : i32
    %scan3A_2 = arith.constant 896 : i32
    %scan3A_3 = arith.addi %scan3A, %scan3A_2 : i32
    %scan3A_4 = arith.constant 1 : i32
    scf.for %scan3A_13 = %scan3A to %scan3A_3 step %scan3A_4  : i32 {
      %mul3A_14 = arith.constant 1 : i32
      %mul3A_15 = arith.muli %scan3A_13, %mul3A_14 : i32
      %add3A_16 = arith.constant 0 : i32
      %add3A_17 = arith.addi %add3A_16, %mul3A_15 : i32
      %mul3A_18 = arith.constant 16 : i32
      %mul3A_19 = arith.muli %add3A_17, %mul3A_18 : i32
      %swap3A = arith.index_cast %mul3A_19 : i32 to index
      %swap3A_20 = tpu.vector_load %arg5[%swap3A] {strides = array<i32>} : memref<14336xf32, #tpu.memory_space<vmem>>, vector<16xf32>,
      tpu.vector_store %arg5[%swap3A], %broadcast_in_dim3A_1 {strides = array<i32>} : memref<14336xf32, #tpu.memory_space<vmem>>, vector<16xf32>,
    }
    %scan3A_5 = arith.constant 896 : i32
    %broadcast_in_dim3A_6 = arith.constant 1.000000e+00 : f32
    %broadcast_in_dim3A_7 = vector.broadcast %broadcast_in_dim3A_6 : f32 to vector<16xf32>
    %scan3A_8 = arith.constant 0 : i32
    %scan3A_9 = arith.constant 896 : i32
    %scan3A_10 = arith.addi %scan3A_8, %scan3A_9 : i32
    %scan3A_11 = arith.constant 1 : i32
    scf.for %scan3A_13 = %scan3A_8 to %scan3A_10 step %scan3A_11  : i32 {
      %mul3A_14 = arith.constant 1 : i32
      %mul3A_15 = arith.muli %scan3A_13, %mul3A_14 : i32
      %add3A_16 = arith.constant 0 : i32
      %add3A_17 = arith.addi %add3A_16, %mul3A_15 : i32
      %mul3A_18 = arith.constant 16 : i32
      %mul3A_19 = arith.muli %add3A_17, %mul3A_18 : i32
      %get3A = arith.index_cast %mul3A_19 : i32 to index
      %get3A_20 = tpu.vector_load %arg4[%get3A] {strides = array<i32>} : memref<14336xi32, #tpu.memory_space<vmem>>, vector<16xi32>,
      tpu.vector_store_idx %arg5[%get3A_20], %broadcast_in_dim3A_7 {add = true} : memref<14336xf32, #tpu.memory_space<vmem>>[vector<16xi32>], vector<16xf32>,
    }
    %scan3A_12 = arith.constant 896 : i32
    "tpu.region"() ({
      %run_scoped3A = tpu.sem_alloc : memref<!tpu.dma_semaphore, #tpu.memory_space<semaphore_mem>>
      %dma_start3A = arith.constant 0 : i32
      %dma_start3A_13 = tpu.memref_slice %arg3[%add3A, %dma_start3A] : memref<32x14336xf32, #tpu.memory_space<hbm>> -> memref<1x14336xf32, #tpu.memory_space<hbm>>
      %dma_start3A_14 = tpu.memref_squeeze %dma_start3A_13 : memref<1x14336xf32, #tpu.memory_space<hbm>> -> memref<14336xf32, #tpu.memory_space<hbm>>
      %dma_start3A_15 = arith.constant 0 : i32
      %dma_start3A_16 = tpu.memref_slice %arg3[%add3A, %dma_start3A_15] : memref<32x14336xf32, #tpu.memory_space<hbm>> -> memref<1x14336xf32, #tpu.memory_space<hbm>>
      %dma_start3A_17 = tpu.memref_squeeze %dma_start3A_16 : memref<1x14336xf32, #tpu.memory_space<hbm>> -> memref<14336xf32, #tpu.memory_space<hbm>>
      tpu.enqueue_dma source(%arg5 : memref<14336xf32, #tpu.memory_space<vmem>>) target(%dma_start3A_17 : memref<14336xf32, #tpu.memory_space<hbm>>) target_semaphore(%run_scoped3A : memref<!tpu.dma_semaphore, #tpu.memory_space<semaphore_mem>>)
      %dma_wait3A = arith.constant 0 : i32
      %dma_wait3A_18 = tpu.memref_slice %arg3[%add3A, %dma_wait3A] : memref<32x14336xf32, #tpu.memory_space<hbm>> -> memref<1x14336xf32, #tpu.memory_space<hbm>>
      %dma_wait3A_19 = tpu.memref_squeeze %dma_wait3A_18 : memref<1x14336xf32, #tpu.memory_space<hbm>> -> memref<14336xf32, #tpu.memory_space<hbm>>
      %dma_wait3A_20 = arith.constant 0 : i32
      %dma_wait3A_21 = tpu.memref_slice %arg3[%add3A, %dma_wait3A_20] : memref<32x14336xf32, #tpu.memory_space<hbm>> -> memref<1x14336xf32, #tpu.memory_space<hbm>>
      %dma_wait3A_22 = tpu.memref_squeeze %dma_wait3A_21 : memref<1x14336xf32, #tpu.memory_space<hbm>> -> memref<14336xf32, #tpu.memory_space<hbm>>
      tpu.wait_dma2 semaphore(%run_scoped3A : memref<!tpu.dma_semaphore, #tpu.memory_space<semaphore_mem>>) src(%arg5 : memref<14336xf32, #tpu.memory_space<vmem>>) dst(%dma_wait3A_22 : memref<14336xf32, #tpu.memory_space<hbm>>)
      tpu.yield
    }) : () -> ()
    return
  }
}

#map = affine_map<(d0, d1) -> (0, 0)>
#map1 = affine_map<(d0, d1) -> (0, 0, 0)>
module attributes {stable_mosaic.version = 14 : i64} {
  func.func @_scat_body(%arg0: i32, %arg1: i32, %arg2: memref<14336x64xf32, #tpu.memory_space<hbm>>, %arg3: memref<14336x64xf32, #tpu.memory_space<hbm>>, %arg4: memref<16x224x128xi32, #tpu.memory_space<hbm>>, %arg5: memref<16x224x128xi32, #tpu.memory_space<hbm>>, %arg6: memref<2x14336x64xf32, #tpu.memory_space<hbm>>, %arg7: memref<224x128xi32, #tpu.memory_space<vmem>>, %arg8: memref<224x128xi32, #tpu.memory_space<vmem>>, %arg9: memref<128x64xf32, #tpu.memory_space<vmem>>, %arg10: memref<128x64xf32, #tpu.memory_space<vmem>>, %arg11: memref<14336x64xf32, #tpu.memory_space<vmem_shared>>, %arg12: memref<!tpu.dma_semaphore, #tpu.memory_space<semaphore_mem>>, %arg13: memref<!tpu.dma_semaphore, #tpu.memory_space<semaphore_mem>>) attributes {dimension_semantics = [#tpu.dimension_semantics<core_parallel>, #tpu.dimension_semantics<subcore_parallel>], iteration_bounds = array<i64: 2, 16>, scalar_prefetch = 0 : i64, scratch_operands = 7 : i64, tpu.core_type = #tpu.core_type<sc_vector_subcore>, window_params = [{transform_indices = #map}, {transform_indices = #map}, {transform_indices = #map1}, {transform_indices = #map1}, {transform_indices = #map1}]} {
    "tpu.region"() ({
      %run_scoped3A = tpu.sem_alloc : memref<!tpu.dma_semaphore, #tpu.memory_space<semaphore_mem>>
      %dma_start3A = arith.constant 0 : i32
      %dma_start3A_28 = arith.constant 0 : i32
      %dma_start3A_29 = tpu.memref_slice %arg4[%arg1, %dma_start3A, %dma_start3A_28] : memref<16x224x128xi32, #tpu.memory_space<hbm>> -> memref<1x224x128xi32, #tpu.memory_space<hbm>>
      %dma_start3A_30 = tpu.memref_squeeze %dma_start3A_29 : memref<1x224x128xi32, #tpu.memory_space<hbm>> -> memref<224x128xi32, #tpu.memory_space<hbm>>
      %dma_start3A_31 = arith.constant 0 : i32
      %dma_start3A_32 = arith.constant 0 : i32
      %dma_start3A_33 = tpu.memref_slice %arg4[%arg1, %dma_start3A_31, %dma_start3A_32] : memref<16x224x128xi32, #tpu.memory_space<hbm>> -> memref<1x224x128xi32, #tpu.memory_space<hbm>>
      %dma_start3A_34 = tpu.memref_squeeze %dma_start3A_33 : memref<1x224x128xi32, #tpu.memory_space<hbm>> -> memref<224x128xi32, #tpu.memory_space<hbm>>
      tpu.enqueue_dma source(%dma_start3A_34 : memref<224x128xi32, #tpu.memory_space<hbm>>) target(%arg7 : memref<224x128xi32, #tpu.memory_space<vmem>>) target_semaphore(%run_scoped3A : memref<!tpu.dma_semaphore, #tpu.memory_space<semaphore_mem>>)
      %dma_wait3A = arith.constant 0 : i32
      %dma_wait3A_35 = arith.constant 0 : i32
      %dma_wait3A_36 = tpu.memref_slice %arg4[%arg1, %dma_wait3A, %dma_wait3A_35] : memref<16x224x128xi32, #tpu.memory_space<hbm>> -> memref<1x224x128xi32, #tpu.memory_space<hbm>>
      %dma_wait3A_37 = tpu.memref_squeeze %dma_wait3A_36 : memref<1x224x128xi32, #tpu.memory_space<hbm>> -> memref<224x128xi32, #tpu.memory_space<hbm>>
      %dma_wait3A_38 = arith.constant 0 : i32
      %dma_wait3A_39 = arith.constant 0 : i32
      %dma_wait3A_40 = tpu.memref_slice %arg4[%arg1, %dma_wait3A_38, %dma_wait3A_39] : memref<16x224x128xi32, #tpu.memory_space<hbm>> -> memref<1x224x128xi32, #tpu.memory_space<hbm>>
      %dma_wait3A_41 = tpu.memref_squeeze %dma_wait3A_40 : memref<1x224x128xi32, #tpu.memory_space<hbm>> -> memref<224x128xi32, #tpu.memory_space<hbm>>
      tpu.wait_dma2 semaphore(%run_scoped3A : memref<!tpu.dma_semaphore, #tpu.memory_space<semaphore_mem>>) src(%dma_wait3A_41 : memref<224x128xi32, #tpu.memory_space<hbm>>) dst(%arg7 : memref<224x128xi32, #tpu.memory_space<vmem>>)
      tpu.yield
    }) : () -> ()
    "tpu.region"() ({
      %run_scoped3A = tpu.sem_alloc : memref<!tpu.dma_semaphore, #tpu.memory_space<semaphore_mem>>
      %dma_start3A = arith.constant 0 : i32
      %dma_start3A_28 = arith.constant 0 : i32
      %dma_start3A_29 = tpu.memref_slice %arg5[%arg1, %dma_start3A, %dma_start3A_28] : memref<16x224x128xi32, #tpu.memory_space<hbm>> -> memref<1x224x128xi32, #tpu.memory_space<hbm>>
      %dma_start3A_30 = tpu.memref_squeeze %dma_start3A_29 : memref<1x224x128xi32, #tpu.memory_space<hbm>> -> memref<224x128xi32, #tpu.memory_space<hbm>>
      %dma_start3A_31 = arith.constant 0 : i32
      %dma_start3A_32 = arith.constant 0 : i32
      %dma_start3A_33 = tpu.memref_slice %arg5[%arg1, %dma_start3A_31, %dma_start3A_32] : memref<16x224x128xi32, #tpu.memory_space<hbm>> -> memref<1x224x128xi32, #tpu.memory_space<hbm>>
      %dma_start3A_34 = tpu.memref_squeeze %dma_start3A_33 : memref<1x224x128xi32, #tpu.memory_space<hbm>> -> memref<224x128xi32, #tpu.memory_space<hbm>>
      tpu.enqueue_dma source(%dma_start3A_34 : memref<224x128xi32, #tpu.memory_space<hbm>>) target(%arg8 : memref<224x128xi32, #tpu.memory_space<vmem>>) target_semaphore(%run_scoped3A : memref<!tpu.dma_semaphore, #tpu.memory_space<semaphore_mem>>)
      %dma_wait3A = arith.constant 0 : i32
      %dma_wait3A_35 = arith.constant 0 : i32
      %dma_wait3A_36 = tpu.memref_slice %arg5[%arg1, %dma_wait3A, %dma_wait3A_35] : memref<16x224x128xi32, #tpu.memory_space<hbm>> -> memref<1x224x128xi32, #tpu.memory_space<hbm>>
      %dma_wait3A_37 = tpu.memref_squeeze %dma_wait3A_36 : memref<1x224x128xi32, #tpu.memory_space<hbm>> -> memref<224x128xi32, #tpu.memory_space<hbm>>
      %dma_wait3A_38 = arith.constant 0 : i32
      %dma_wait3A_39 = arith.constant 0 : i32
      %dma_wait3A_40 = tpu.memref_slice %arg5[%arg1, %dma_wait3A_38, %dma_wait3A_39] : memref<16x224x128xi32, #tpu.memory_space<hbm>> -> memref<1x224x128xi32, #tpu.memory_space<hbm>>
      %dma_wait3A_41 = tpu.memref_squeeze %dma_wait3A_40 : memref<1x224x128xi32, #tpu.memory_space<hbm>> -> memref<224x128xi32, #tpu.memory_space<hbm>>
      tpu.wait_dma2 semaphore(%run_scoped3A : memref<!tpu.dma_semaphore, #tpu.memory_space<semaphore_mem>>) src(%dma_wait3A_41 : memref<224x128xi32, #tpu.memory_space<hbm>>) dst(%arg8 : memref<224x128xi32, #tpu.memory_space<vmem>>)
      tpu.yield
    }) : () -> ()
    %broadcast_in_dim3A = arith.constant 0.000000e+00 : f32
    %broadcast_in_dim3A_0 = vector.broadcast %broadcast_in_dim3A : f32 to vector<16xf32>
    %scan3A = arith.constant 0 : i32
    %scan3A_1 = arith.constant 128 : i32
    %scan3A_2 = arith.addi %scan3A, %scan3A_1 : i32
    %scan3A_3 = arith.constant 1 : i32
    scf.for %scan3A_28 = %scan3A to %scan3A_2 step %scan3A_3  : i32 {
      %mul3A = arith.constant 1 : i32
      %mul3A_29 = arith.muli %scan3A_28, %mul3A : i32
      %add3A = arith.constant 0 : i32
      %add3A_30 = arith.addi %add3A, %mul3A_29 : i32
      %scan3A_31 = arith.constant 0 : i32
      %scan3A_32 = arith.constant 4 : i32
      %scan3A_33 = arith.addi %scan3A_31, %scan3A_32 : i32
      %scan3A_34 = arith.constant 1 : i32
      scf.for %scan3A_36 = %scan3A_31 to %scan3A_33 step %scan3A_34  : i32 {
        %mul3A_37 = arith.constant 1 : i32
        %mul3A_38 = arith.muli %scan3A_36, %mul3A_37 : i32
        %add3A_39 = arith.constant 0 : i32
        %add3A_40 = arith.addi %add3A_39, %mul3A_38 : i32
        %mul3A_41 = arith.constant 16 : i32
        %mul3A_42 = arith.muli %add3A_40, %mul3A_41 : i32
        %swap3A = arith.index_cast %add3A_30 : i32 to index
        %swap3A_43 = arith.index_cast %mul3A_42 : i32 to index
        %swap3A_44 = tpu.vector_load %arg9[%swap3A, %swap3A_43] {strides = array<i32>} : memref<128x64xf32, #tpu.memory_space<vmem>>, vector<16xf32>,
        tpu.vector_store %arg9[%swap3A, %swap3A_43], %broadcast_in_dim3A_0 {strides = array<i32>} : memref<128x64xf32, #tpu.memory_space<vmem>>, vector<16xf32>,
      }
      %scan3A_35 = arith.constant 4 : i32
    }
    %scan3A_4 = arith.constant 128 : i32
    %scan3A_5 = arith.constant 0 : i32
    %scan3A_6 = arith.constant 7 : i32
    %scan3A_7 = arith.addi %scan3A_5, %scan3A_6 : i32
    %scan3A_8 = arith.constant 1 : i32
    scf.for %scan3A_28 = %scan3A_5 to %scan3A_7 step %scan3A_8  : i32 {
      %mul3A = arith.constant 1 : i32
      %mul3A_29 = arith.muli %scan3A_28, %mul3A : i32
      %add3A = arith.constant 0 : i32
      %add3A_30 = arith.addi %add3A, %mul3A_29 : i32
      %mul3A_31 = arith.constant 896 : i32
      %mul3A_32 = arith.muli %arg1, %mul3A_31 : i32
      %mul3A_33 = arith.constant 128 : i32
      %mul3A_34 = arith.muli %add3A_30, %mul3A_33 : i32
      %add3A_35 = arith.addi %mul3A_32, %mul3A_34 : i32
      "tpu.region"() ({
        %run_scoped3A = tpu.sem_alloc : memref<!tpu.dma_semaphore, #tpu.memory_space<semaphore_mem>>
        %dma_start3A = arith.constant 0 : i32
        %dma_start3A_36 = tpu.memref_slice %arg11[%add3A_35, %dma_start3A] : memref<14336x64xf32, #tpu.memory_space<vmem_shared>> -> memref<128x64xf32, #tpu.memory_space<vmem_shared>>
        %dma_start3A_37 = arith.constant 0 : i32
        %dma_start3A_38 = tpu.memref_slice %arg11[%add3A_35, %dma_start3A_37] : memref<14336x64xf32, #tpu.memory_space<vmem_shared>> -> memref<128x64xf32, #tpu.memory_space<vmem_shared>>
        tpu.enqueue_dma source(%arg9 : memref<128x64xf32, #tpu.memory_space<vmem>>) target(%dma_start3A_38 : memref<128x64xf32, #tpu.memory_space<vmem_shared>>) target_semaphore(%run_scoped3A : memref<!tpu.dma_semaphore, #tpu.memory_space<semaphore_mem>>)
        %dma_wait3A = arith.constant 0 : i32
        %dma_wait3A_39 = tpu.memref_slice %arg11[%add3A_35, %dma_wait3A] : memref<14336x64xf32, #tpu.memory_space<vmem_shared>> -> memref<128x64xf32, #tpu.memory_space<vmem_shared>>
        %dma_wait3A_40 = arith.constant 0 : i32
        %dma_wait3A_41 = tpu.memref_slice %arg11[%add3A_35, %dma_wait3A_40] : memref<14336x64xf32, #tpu.memory_space<vmem_shared>> -> memref<128x64xf32, #tpu.memory_space<vmem_shared>>
        tpu.wait_dma2 semaphore(%run_scoped3A : memref<!tpu.dma_semaphore, #tpu.memory_space<semaphore_mem>>) src(%arg9 : memref<128x64xf32, #tpu.memory_space<vmem>>) dst(%dma_wait3A_41 : memref<128x64xf32, #tpu.memory_space<vmem_shared>>)
        tpu.yield
      }) : () -> ()
    }
    %scan3A_9 = arith.constant 7 : i32
    %barrier3A = arith.constant 0 : index
    tpu.barrier barrier_id(%barrier3A)
    %eq3A = arith.constant 0 : i32
    %eq3A_10 = arith.cmpi eq, %arg0, %eq3A : i32
    %convert_element_type3A = arith.extui %eq3A_10 : i1 to i32
    %cond3A = arith.constant 0 : i32
    %cond3A_11 = arith.cmpi ne, %convert_element_type3A, %cond3A : i32
    scf.if %cond3A_11 {
      %dma_start3A = arith.constant 0 : i32
      %dma_start3A_28 = arith.constant 0 : i32
      %dma_start3A_29 = tpu.memref_slice %arg7[%dma_start3A, %dma_start3A_28] : memref<224x128xi32, #tpu.memory_space<vmem>> -> memref<1x128xi32, #tpu.memory_space<vmem>>
      %dma_start3A_30 = tpu.memref_squeeze %dma_start3A_29 : memref<1x128xi32, #tpu.memory_space<vmem>> -> memref<128xi32, #tpu.memory_space<vmem>>
      %dma_start3A_31 = arith.constant 0 : i32
      %dma_start3A_32 = arith.constant 0 : i32
      %dma_start3A_33 = tpu.memref_slice %arg2[%dma_start3A_31, %dma_start3A_32] : memref<14336x64xf32, #tpu.memory_space<hbm>> -> memref<14336x64xf32, #tpu.memory_space<hbm>>
      tpu.enqueue_indirect_dma source(%dma_start3A_33 : memref<14336x64xf32, #tpu.memory_space<hbm>>) target(%arg9 : memref<128x64xf32, #tpu.memory_space<vmem>>) offsets(%dma_start3A_30 : memref<128xi32, #tpu.memory_space<vmem>>) semaphore(%arg12 : memref<!tpu.dma_semaphore, #tpu.memory_space<semaphore_mem>>)
    } else {
    }
    %eq3A_12 = arith.constant 1 : i32
    %eq3A_13 = arith.cmpi eq, %arg0, %eq3A_12 : i32
    %convert_element_type3A_14 = arith.extui %eq3A_13 : i1 to i32
    %cond3A_15 = arith.constant 0 : i32
    %cond3A_16 = arith.cmpi ne, %convert_element_type3A_14, %cond3A_15 : i32
    scf.if %cond3A_16 {
      %dma_start3A = arith.constant 0 : i32
      %dma_start3A_28 = arith.constant 0 : i32
      %dma_start3A_29 = tpu.memref_slice %arg7[%dma_start3A, %dma_start3A_28] : memref<224x128xi32, #tpu.memory_space<vmem>> -> memref<1x128xi32, #tpu.memory_space<vmem>>
      %dma_start3A_30 = tpu.memref_squeeze %dma_start3A_29 : memref<1x128xi32, #tpu.memory_space<vmem>> -> memref<128xi32, #tpu.memory_space<vmem>>
      %dma_start3A_31 = arith.constant 0 : i32
      %dma_start3A_32 = arith.constant 0 : i32
      %dma_start3A_33 = tpu.memref_slice %arg3[%dma_start3A_31, %dma_start3A_32] : memref<14336x64xf32, #tpu.memory_space<hbm>> -> memref<14336x64xf32, #tpu.memory_space<hbm>>
      tpu.enqueue_indirect_dma source(%dma_start3A_33 : memref<14336x64xf32, #tpu.memory_space<hbm>>) target(%arg9 : memref<128x64xf32, #tpu.memory_space<vmem>>) offsets(%dma_start3A_30 : memref<128xi32, #tpu.memory_space<vmem>>) semaphore(%arg12 : memref<!tpu.dma_semaphore, #tpu.memory_space<semaphore_mem>>)
    } else {
    }
    %scan3A_17 = arith.constant 0 : i32
    %scan3A_18 = arith.constant 112 : i32
    %scan3A_19 = arith.addi %scan3A_17, %scan3A_18 : i32
    %scan3A_20 = arith.constant 1 : i32
    scf.for %scan3A_28 = %scan3A_17 to %scan3A_19 step %scan3A_20  : i32 {
      %mul3A = arith.constant 1 : i32
      %mul3A_29 = arith.muli %scan3A_28, %mul3A : i32
      %add3A = arith.constant 0 : i32
      %add3A_30 = arith.addi %add3A, %mul3A_29 : i32
      %mul3A_31 = arith.constant 2 : i32
      %mul3A_32 = arith.muli %add3A_30, %mul3A_31 : i32
      %add3A_33 = arith.constant 1 : i32
      %add3A_34 = arith.addi %mul3A_32, %add3A_33 : i32
      %eq3A_35 = arith.constant 0 : i32
      %eq3A_36 = arith.cmpi eq, %arg0, %eq3A_35 : i32
      %convert_element_type3A_37 = arith.extui %eq3A_36 : i1 to i32
      %cond3A_38 = arith.constant 0 : i32
      %cond3A_39 = arith.cmpi ne, %convert_element_type3A_37, %cond3A_38 : i32
      scf.if %cond3A_39 {
        %dma_start3A = arith.constant 0 : i32
        %dma_start3A_64 = tpu.memref_slice %arg7[%add3A_34, %dma_start3A] : memref<224x128xi32, #tpu.memory_space<vmem>> -> memref<1x128xi32, #tpu.memory_space<vmem>>
        %dma_start3A_65 = tpu.memref_squeeze %dma_start3A_64 : memref<1x128xi32, #tpu.memory_space<vmem>> -> memref<128xi32, #tpu.memory_space<vmem>>
        %dma_start3A_66 = arith.constant 0 : i32
        %dma_start3A_67 = arith.constant 0 : i32
        %dma_start3A_68 = tpu.memref_slice %arg2[%dma_start3A_66, %dma_start3A_67] : memref<14336x64xf32, #tpu.memory_space<hbm>> -> memref<14336x64xf32, #tpu.memory_space<hbm>>
        tpu.enqueue_indirect_dma source(%dma_start3A_68 : memref<14336x64xf32, #tpu.memory_space<hbm>>) target(%arg10 : memref<128x64xf32, #tpu.memory_space<vmem>>) offsets(%dma_start3A_65 : memref<128xi32, #tpu.memory_space<vmem>>) semaphore(%arg13 : memref<!tpu.dma_semaphore, #tpu.memory_space<semaphore_mem>>)
      } else {
      }
      %eq3A_40 = arith.constant 1 : i32
      %eq3A_41 = arith.cmpi eq, %arg0, %eq3A_40 : i32
      %convert_element_type3A_42 = arith.extui %eq3A_41 : i1 to i32
      %cond3A_43 = arith.constant 0 : i32
      %cond3A_44 = arith.cmpi ne, %convert_element_type3A_42, %cond3A_43 : i32
      scf.if %cond3A_44 {
        %dma_start3A = arith.constant 0 : i32
        %dma_start3A_64 = tpu.memref_slice %arg7[%add3A_34, %dma_start3A] : memref<224x128xi32, #tpu.memory_space<vmem>> -> memref<1x128xi32, #tpu.memory_space<vmem>>
        %dma_start3A_65 = tpu.memref_squeeze %dma_start3A_64 : memref<1x128xi32, #tpu.memory_space<vmem>> -> memref<128xi32, #tpu.memory_space<vmem>>
        %dma_start3A_66 = arith.constant 0 : i32
        %dma_start3A_67 = arith.constant 0 : i32
        %dma_start3A_68 = tpu.memref_slice %arg3[%dma_start3A_66, %dma_start3A_67] : memref<14336x64xf32, #tpu.memory_space<hbm>> -> memref<14336x64xf32, #tpu.memory_space<hbm>>
        tpu.enqueue_indirect_dma source(%dma_start3A_68 : memref<14336x64xf32, #tpu.memory_space<hbm>>) target(%arg10 : memref<128x64xf32, #tpu.memory_space<vmem>>) offsets(%dma_start3A_65 : memref<128xi32, #tpu.memory_space<vmem>>) semaphore(%arg13 : memref<!tpu.dma_semaphore, #tpu.memory_space<semaphore_mem>>)
      } else {
      }
      %dma_wait3A = arith.constant 0 : i32
      %dma_wait3A_45 = arith.constant 0 : i32
      %dma_wait3A_46 = tpu.memref_slice %arg7[%dma_wait3A, %dma_wait3A_45] : memref<224x128xi32, #tpu.memory_space<vmem>> -> memref<1x128xi32, #tpu.memory_space<vmem>>
      %dma_wait3A_47 = tpu.memref_squeeze %dma_wait3A_46 : memref<1x128xi32, #tpu.memory_space<vmem>> -> memref<128xi32, #tpu.memory_space<vmem>>
      %dma_wait3A_48 = arith.constant 0 : i32
      %dma_wait3A_49 = arith.constant 0 : i32
      %dma_wait3A_50 = tpu.memref_slice %arg2[%dma_wait3A_48, %dma_wait3A_49] : memref<14336x64xf32, #tpu.memory_space<hbm>> -> memref<14336x64xf32, #tpu.memory_space<hbm>>
      tpu.wait_indirect_dma semaphore(%arg12 : memref<!tpu.dma_semaphore, #tpu.memory_space<semaphore_mem>>) src(%dma_wait3A_50 : memref<14336x64xf32, #tpu.memory_space<hbm>>) dst(%arg9 : memref<128x64xf32, #tpu.memory_space<vmem>>)
      "tpu.region"() ({
        %run_scoped3A = tpu.sem_alloc : memref<!tpu.dma_semaphore, #tpu.memory_space<semaphore_mem>>
        %dma_start3A = arith.constant 0 : i32
        %dma_start3A_64 = tpu.memref_slice %arg8[%mul3A_32, %dma_start3A] : memref<224x128xi32, #tpu.memory_space<vmem>> -> memref<1x128xi32, #tpu.memory_space<vmem>>
        %dma_start3A_65 = tpu.memref_squeeze %dma_start3A_64 : memref<1x128xi32, #tpu.memory_space<vmem>> -> memref<128xi32, #tpu.memory_space<vmem>>
        %dma_start3A_66 = arith.constant 0 : i32
        %dma_start3A_67 = arith.constant 0 : i32
        %dma_start3A_68 = tpu.memref_slice %arg11[%dma_start3A_66, %dma_start3A_67] : memref<14336x64xf32, #tpu.memory_space<vmem_shared>> -> memref<14336x64xf32, #tpu.memory_space<vmem_shared>>
        tpu.enqueue_indirect_dma source(%arg9 : memref<128x64xf32, #tpu.memory_space<vmem>>) target(%dma_start3A_68 : memref<14336x64xf32, #tpu.memory_space<vmem_shared>>) offsets(%dma_start3A_65 : memref<128xi32, #tpu.memory_space<vmem>>) semaphore(%run_scoped3A : memref<!tpu.dma_semaphore, #tpu.memory_space<semaphore_mem>>) {add = true}
        %dma_wait3A_69 = arith.constant 0 : i32
        %dma_wait3A_70 = tpu.memref_slice %arg8[%mul3A_32, %dma_wait3A_69] : memref<224x128xi32, #tpu.memory_space<vmem>> -> memref<1x128xi32, #tpu.memory_space<vmem>>
        %dma_wait3A_71 = tpu.memref_squeeze %dma_wait3A_70 : memref<1x128xi32, #tpu.memory_space<vmem>> -> memref<128xi32, #tpu.memory_space<vmem>>
        %dma_wait3A_72 = arith.constant 0 : i32
        %dma_wait3A_73 = arith.constant 0 : i32
        %dma_wait3A_74 = tpu.memref_slice %arg11[%dma_wait3A_72, %dma_wait3A_73] : memref<14336x64xf32, #tpu.memory_space<vmem_shared>> -> memref<14336x64xf32, #tpu.memory_space<vmem_shared>>
        tpu.wait_indirect_dma semaphore(%run_scoped3A : memref<!tpu.dma_semaphore, #tpu.memory_space<semaphore_mem>>) src(%arg9 : memref<128x64xf32, #tpu.memory_space<vmem>>) dst(%dma_wait3A_74 : memref<14336x64xf32, #tpu.memory_space<vmem_shared>>)
        tpu.yield
      }) : () -> ()
      %lt3A = arith.constant 111 : i32
      %lt3A_51 = arith.cmpi slt, %add3A_30, %lt3A : i32
      %convert_element_type3A_52 = arith.extui %lt3A_51 : i1 to i32
      %cond3A_53 = arith.constant 0 : i32
      %cond3A_54 = arith.cmpi ne, %convert_element_type3A_52, %cond3A_53 : i32
      scf.if %cond3A_54 {
        %add3A_64 = arith.constant 2 : i32
        %add3A_65 = arith.addi %mul3A_32, %add3A_64 : i32
        %eq3A_66 = arith.constant 0 : i32
        %eq3A_67 = arith.cmpi eq, %arg0, %eq3A_66 : i32
        %convert_element_type3A_68 = arith.extui %eq3A_67 : i1 to i32
        %cond3A_69 = arith.constant 0 : i32
        %cond3A_70 = arith.cmpi ne, %convert_element_type3A_68, %cond3A_69 : i32
        scf.if %cond3A_70 {
          %dma_start3A = arith.constant 0 : i32
          %dma_start3A_76 = tpu.memref_slice %arg7[%add3A_65, %dma_start3A] : memref<224x128xi32, #tpu.memory_space<vmem>> -> memref<1x128xi32, #tpu.memory_space<vmem>>
          %dma_start3A_77 = tpu.memref_squeeze %dma_start3A_76 : memref<1x128xi32, #tpu.memory_space<vmem>> -> memref<128xi32, #tpu.memory_space<vmem>>
          %dma_start3A_78 = arith.constant 0 : i32
          %dma_start3A_79 = arith.constant 0 : i32
          %dma_start3A_80 = tpu.memref_slice %arg2[%dma_start3A_78, %dma_start3A_79] : memref<14336x64xf32, #tpu.memory_space<hbm>> -> memref<14336x64xf32, #tpu.memory_space<hbm>>
          tpu.enqueue_indirect_dma source(%dma_start3A_80 : memref<14336x64xf32, #tpu.memory_space<hbm>>) target(%arg9 : memref<128x64xf32, #tpu.memory_space<vmem>>) offsets(%dma_start3A_77 : memref<128xi32, #tpu.memory_space<vmem>>) semaphore(%arg12 : memref<!tpu.dma_semaphore, #tpu.memory_space<semaphore_mem>>)
        } else {
        }
        %eq3A_71 = arith.constant 1 : i32
        %eq3A_72 = arith.cmpi eq, %arg0, %eq3A_71 : i32
        %convert_element_type3A_73 = arith.extui %eq3A_72 : i1 to i32
        %cond3A_74 = arith.constant 0 : i32
        %cond3A_75 = arith.cmpi ne, %convert_element_type3A_73, %cond3A_74 : i32
        scf.if %cond3A_75 {
          %dma_start3A = arith.constant 0 : i32
          %dma_start3A_76 = tpu.memref_slice %arg7[%add3A_65, %dma_start3A] : memref<224x128xi32, #tpu.memory_space<vmem>> -> memref<1x128xi32, #tpu.memory_space<vmem>>
          %dma_start3A_77 = tpu.memref_squeeze %dma_start3A_76 : memref<1x128xi32, #tpu.memory_space<vmem>> -> memref<128xi32, #tpu.memory_space<vmem>>
          %dma_start3A_78 = arith.constant 0 : i32
          %dma_start3A_79 = arith.constant 0 : i32
          %dma_start3A_80 = tpu.memref_slice %arg3[%dma_start3A_78, %dma_start3A_79] : memref<14336x64xf32, #tpu.memory_space<hbm>> -> memref<14336x64xf32, #tpu.memory_space<hbm>>
          tpu.enqueue_indirect_dma source(%dma_start3A_80 : memref<14336x64xf32, #tpu.memory_space<hbm>>) target(%arg9 : memref<128x64xf32, #tpu.memory_space<vmem>>) offsets(%dma_start3A_77 : memref<128xi32, #tpu.memory_space<vmem>>) semaphore(%arg12 : memref<!tpu.dma_semaphore, #tpu.memory_space<semaphore_mem>>)
        } else {
        }
      } else {
      }
      %dma_wait3A_55 = arith.constant 0 : i32
      %dma_wait3A_56 = arith.constant 0 : i32
      %dma_wait3A_57 = tpu.memref_slice %arg7[%dma_wait3A_55, %dma_wait3A_56] : memref<224x128xi32, #tpu.memory_space<vmem>> -> memref<1x128xi32, #tpu.memory_space<vmem>>
      %dma_wait3A_58 = tpu.memref_squeeze %dma_wait3A_57 : memref<1x128xi32, #tpu.memory_space<vmem>> -> memref<128xi32, #tpu.memory_space<vmem>>
      %dma_wait3A_59 = arith.constant 0 : i32
      %dma_wait3A_60 = arith.constant 0 : i32
      %dma_wait3A_61 = tpu.memref_slice %arg2[%dma_wait3A_59, %dma_wait3A_60] : memref<14336x64xf32, #tpu.memory_space<hbm>> -> memref<14336x64xf32, #tpu.memory_space<hbm>>
      tpu.wait_indirect_dma semaphore(%arg13 : memref<!tpu.dma_semaphore, #tpu.memory_space<semaphore_mem>>) src(%dma_wait3A_61 : memref<14336x64xf32, #tpu.memory_space<hbm>>) dst(%arg10 : memref<128x64xf32, #tpu.memory_space<vmem>>)
      %add3A_62 = arith.constant 1 : i32
      %add3A_63 = arith.addi %mul3A_32, %add3A_62 : i32
      "tpu.region"() ({
        %run_scoped3A = tpu.sem_alloc : memref<!tpu.dma_semaphore, #tpu.memory_space<semaphore_mem>>
        %dma_start3A = arith.constant 0 : i32
        %dma_start3A_64 = tpu.memref_slice %arg8[%add3A_63, %dma_start3A] : memref<224x128xi32, #tpu.memory_space<vmem>> -> memref<1x128xi32, #tpu.memory_space<vmem>>
        %dma_start3A_65 = tpu.memref_squeeze %dma_start3A_64 : memref<1x128xi32, #tpu.memory_space<vmem>> -> memref<128xi32, #tpu.memory_space<vmem>>
        %dma_start3A_66 = arith.constant 0 : i32
        %dma_start3A_67 = arith.constant 0 : i32
        %dma_start3A_68 = tpu.memref_slice %arg11[%dma_start3A_66, %dma_start3A_67] : memref<14336x64xf32, #tpu.memory_space<vmem_shared>> -> memref<14336x64xf32, #tpu.memory_space<vmem_shared>>
        tpu.enqueue_indirect_dma source(%arg10 : memref<128x64xf32, #tpu.memory_space<vmem>>) target(%dma_start3A_68 : memref<14336x64xf32, #tpu.memory_space<vmem_shared>>) offsets(%dma_start3A_65 : memref<128xi32, #tpu.memory_space<vmem>>) semaphore(%run_scoped3A : memref<!tpu.dma_semaphore, #tpu.memory_space<semaphore_mem>>) {add = true}
        %dma_wait3A_69 = arith.constant 0 : i32
        %dma_wait3A_70 = tpu.memref_slice %arg8[%add3A_63, %dma_wait3A_69] : memref<224x128xi32, #tpu.memory_space<vmem>> -> memref<1x128xi32, #tpu.memory_space<vmem>>
        %dma_wait3A_71 = tpu.memref_squeeze %dma_wait3A_70 : memref<1x128xi32, #tpu.memory_space<vmem>> -> memref<128xi32, #tpu.memory_space<vmem>>
        %dma_wait3A_72 = arith.constant 0 : i32
        %dma_wait3A_73 = arith.constant 0 : i32
        %dma_wait3A_74 = tpu.memref_slice %arg11[%dma_wait3A_72, %dma_wait3A_73] : memref<14336x64xf32, #tpu.memory_space<vmem_shared>> -> memref<14336x64xf32, #tpu.memory_space<vmem_shared>>
        tpu.wait_indirect_dma semaphore(%run_scoped3A : memref<!tpu.dma_semaphore, #tpu.memory_space<semaphore_mem>>) src(%arg10 : memref<128x64xf32, #tpu.memory_space<vmem>>) dst(%dma_wait3A_74 : memref<14336x64xf32, #tpu.memory_space<vmem_shared>>)
        tpu.yield
      }) : () -> ()
    }
    %scan3A_21 = arith.constant 112 : i32
    %barrier3A_22 = arith.constant 0 : index
    tpu.barrier barrier_id(%barrier3A_22)
    %scan3A_23 = arith.constant 0 : i32
    %scan3A_24 = arith.constant 7 : i32
    %scan3A_25 = arith.addi %scan3A_23, %scan3A_24 : i32
    %scan3A_26 = arith.constant 1 : i32
    scf.for %scan3A_28 = %scan3A_23 to %scan3A_25 step %scan3A_26  : i32 {
      %mul3A = arith.constant 1 : i32
      %mul3A_29 = arith.muli %scan3A_28, %mul3A : i32
      %add3A = arith.constant 0 : i32
      %add3A_30 = arith.addi %add3A, %mul3A_29 : i32
      %mul3A_31 = arith.constant 896 : i32
      %mul3A_32 = arith.muli %arg1, %mul3A_31 : i32
      %mul3A_33 = arith.constant 128 : i32
      %mul3A_34 = arith.muli %add3A_30, %mul3A_33 : i32
      %add3A_35 = arith.addi %mul3A_32, %mul3A_34 : i32
      "tpu.region"() ({
        %run_scoped3A = tpu.sem_alloc : memref<!tpu.dma_semaphore, #tpu.memory_space<semaphore_mem>>
        %dma_start3A = arith.constant 0 : i32
        %dma_start3A_36 = tpu.memref_slice %arg6[%arg0, %add3A_35, %dma_start3A] : memref<2x14336x64xf32, #tpu.memory_space<hbm>> -> memref<1x128x64xf32, #tpu.memory_space<hbm>>
        %dma_start3A_37 = tpu.memref_squeeze %dma_start3A_36 : memref<1x128x64xf32, #tpu.memory_space<hbm>> -> memref<128x64xf32, #tpu.memory_space<hbm>>
        %dma_start3A_38 = arith.constant 0 : i32
        %dma_start3A_39 = tpu.memref_slice %arg11[%add3A_35, %dma_start3A_38] : memref<14336x64xf32, #tpu.memory_space<vmem_shared>> -> memref<128x64xf32, #tpu.memory_space<vmem_shared>>
        tpu.enqueue_dma source(%dma_start3A_39 : memref<128x64xf32, #tpu.memory_space<vmem_shared>>) target(%dma_start3A_37 : memref<128x64xf32, #tpu.memory_space<hbm>>) target_semaphore(%run_scoped3A : memref<!tpu.dma_semaphore, #tpu.memory_space<semaphore_mem>>)
        %dma_wait3A = arith.constant 0 : i32
        %dma_wait3A_40 = tpu.memref_slice %arg6[%arg0, %add3A_35, %dma_wait3A] : memref<2x14336x64xf32, #tpu.memory_space<hbm>> -> memref<1x128x64xf32, #tpu.memory_space<hbm>>
        %dma_wait3A_41 = tpu.memref_squeeze %dma_wait3A_40 : memref<1x128x64xf32, #tpu.memory_space<hbm>> -> memref<128x64xf32, #tpu.memory_space<hbm>>
        %dma_wait3A_42 = arith.constant 0 : i32
        %dma_wait3A_43 = tpu.memref_slice %arg11[%add3A_35, %dma_wait3A_42] : memref<14336x64xf32, #tpu.memory_space<vmem_shared>> -> memref<128x64xf32, #tpu.memory_space<vmem_shared>>
        tpu.wait_dma2 semaphore(%run_scoped3A : memref<!tpu.dma_semaphore, #tpu.memory_space<semaphore_mem>>) src(%dma_wait3A_43 : memref<128x64xf32, #tpu.memory_space<vmem_shared>>) dst(%dma_wait3A_41 : memref<128x64xf32, #tpu.memory_space<hbm>>)
        tpu.yield
      }) : () -> ()
    }
    %scan3A_27 = arith.constant 7 : i32
    return
  }
}

module attributes {stable_mosaic.version = 14 : i64} {
  func.func @_a_body(%arg0: i32, %arg1: memref<32x256xf32, #tpu.memory_space<vmem>>, %arg2: memref<256x128xf32, #tpu.memory_space<vmem>>, %arg3: memref<128x128xf32, #tpu.memory_space<vmem>>, %arg4: memref<256x64xf32, #tpu.memory_space<vmem>>, %arg5: memref<256x64xf32, #tpu.memory_space<vmem>>, %arg6: memref<256x1xf32, #tpu.memory_space<vmem>>) attributes {dimension_semantics = [#tpu.dimension_semantics<arbitrary>], iteration_bounds = array<i64: 56>, scalar_prefetch = 0 : i64, scratch_operands = 0 : i64, tpu.core_type = #tpu.core_type<tc>, window_params = [{transform_indices = @transform_0, window_bounds = array<i64: 32, 256>}, {transform_indices = @transform_1, window_bounds = array<i64: 256, 128>}, {pipeline_mode = #tpu.pipeline_mode<synchronous>, transform_indices = @transform_2, window_bounds = array<i64: 128, 128>}, {transform_indices = @transform_3, window_bounds = array<i64: 256, 64>}, {transform_indices = @transform_4, window_bounds = array<i64: 256, 64>}, {transform_indices = @transform_5, window_bounds = array<i64: 256, 1>}]} {
    %get3A = arith.constant 0 : index
    %get3A_0 = arith.constant 0 : index
    %get3A_1 = vector.load %arg1[%get3A, %get3A_0] : memref<32x256xf32, #tpu.memory_space<vmem>>, vector<32x256xf32>
    %reduce_sum3A = arith.constant dense<0.000000e+00> : vector<256xf32>
    %reduce_sum3A_2 = vector.multi_reduction <add>, %get3A_1, %reduce_sum3A [0] : vector<32x256xf32> to vector<256xf32>
    %add3A = arith.constant 1.000000e+00 : f32
    %add3A_3 = vector.broadcast %add3A : f32 to vector<256xf32>
    %add3A_4 = arith.addf %reduce_sum3A_2, %add3A_3 : vector<256xf32>
    %rsqrt3A = math.rsqrt %add3A_4 : vector<256xf32>
    %get3A_5 = arith.constant 0 : index
    %get3A_6 = arith.constant 0 : index
    %get3A_7 = vector.load %arg2[%get3A_5, %get3A_6] : memref<256x128xf32, #tpu.memory_space<vmem>>, vector<256x128xf32>
    %get3A_8 = arith.constant 0 : index
    %get3A_9 = arith.constant 0 : index
    %get3A_10 = vector.load %arg3[%get3A_8, %get3A_9] : memref<128x128xf32, #tpu.memory_space<vmem>>, vector<128x128xf32>
    %dot_general3A = arith.constant dense<0.000000e+00> : vector<256x128xf32>
    %dot_general3A_11 = tpu.matmul %get3A_7, %get3A_10, %dot_general3A {dimension_numbers = #tpu.dot_dimension_numbers<[1], [0], [0], [1], [0, 0, 1, 1], [], []>, transpose_lhs_hint = false} : vector<256x128xf32>, vector<128x128xf32>, vector<256x128xf32> -> vector<256x128xf32>
    %broadcast_in_dim3A = vector.shape_cast %rsqrt3A : vector<256xf32> to vector<256x1xf32>
    %mul3A = vector.broadcast %broadcast_in_dim3A : vector<256x1xf32> to vector<256x128xf32>
    %mul3A_12 = arith.mulf %dot_general3A_11, %mul3A : vector<256x128xf32>
    %slice3A = vector.extract_strided_slice %mul3A_12 {offsets = [0, 0], sizes = [256, 64], strides = [1, 1]} : vector<256x128xf32> to vector<256x64xf32>
    %swap3A = arith.constant 0 : index
    %swap3A_13 = arith.constant 0 : index
    %swap3A_14 = vector.load %arg4[%swap3A, %swap3A_13] : memref<256x64xf32, #tpu.memory_space<vmem>>, vector<256x64xf32>
    tpu.vector_store %arg4[%swap3A, %swap3A_13], %slice3A {strides = array<i32>} : memref<256x64xf32, #tpu.memory_space<vmem>>, vector<256x64xf32>,
    %slice3A_15 = vector.extract_strided_slice %mul3A_12 {offsets = [0, 64], sizes = [256, 64], strides = [1, 1]} : vector<256x128xf32> to vector<256x64xf32>
    %swap3A_16 = arith.constant 0 : index
    %swap3A_17 = arith.constant 0 : index
    %swap3A_18 = vector.load %arg5[%swap3A_16, %swap3A_17] : memref<256x64xf32, #tpu.memory_space<vmem>>, vector<256x64xf32>
    tpu.vector_store %arg5[%swap3A_16, %swap3A_17], %slice3A_15 {strides = array<i32>} : memref<256x64xf32, #tpu.memory_space<vmem>>, vector<256x64xf32>,
    %broadcast_in_dim3A_19 = vector.shape_cast %rsqrt3A : vector<256xf32> to vector<256x1xf32>
    %swap3A_20 = arith.constant 0 : index
    %swap3A_21 = arith.constant 0 : index
    %swap3A_22 = vector.load %arg6[%swap3A_20, %swap3A_21] : memref<256x1xf32, #tpu.memory_space<vmem>>, vector<256x1xf32>
    tpu.vector_store %arg6[%swap3A_20, %swap3A_21], %broadcast_in_dim3A_19 {strides = array<i32>} : memref<256x1xf32, #tpu.memory_space<vmem>>, vector<256x1xf32>,
    return
  }
  func.func @transform_0(%arg0: i32) -> (i32, i32) {
    %c0_i32 = arith.constant 0 : i32
    %c0_i32_0 = arith.constant 0 : i32
    return %c0_i32, %arg0 : i32, i32
  }
  func.func @transform_1(%arg0: i32) -> (i32, i32) {
    %c0_i32 = arith.constant 0 : i32
    %c0_i32_0 = arith.constant 0 : i32
    return %arg0, %c0_i32 : i32, i32
  }
  func.func @transform_2(%arg0: i32) -> (i32, i32) {
    %c0_i32 = arith.constant 0 : i32
    %c0_i32_0 = arith.constant 0 : i32
    %c0_i32_1 = arith.constant 0 : i32
    return %c0_i32, %c0_i32_0 : i32, i32
  }
  func.func @transform_3(%arg0: i32) -> (i32, i32) {
    %c0_i32 = arith.constant 0 : i32
    %c0_i32_0 = arith.constant 0 : i32
    return %arg0, %c0_i32 : i32, i32
  }
  func.func @transform_4(%arg0: i32) -> (i32, i32) {
    %c0_i32 = arith.constant 0 : i32
    %c0_i32_0 = arith.constant 0 : i32
    return %arg0, %c0_i32 : i32, i32
  }
  func.func @transform_5(%arg0: i32) -> (i32, i32) {
    %c0_i32 = arith.constant 0 : i32
    %c0_i32_0 = arith.constant 0 : i32
    return %arg0, %c0_i32 : i32, i32
  }
}

module attributes {stable_mosaic.version = 14 : i64} {
  func.func @_b_body(%arg0: i32, %arg1: memref<2x256x64xf32, #tpu.memory_space<vmem>>, %arg2: memref<256x64xf32, #tpu.memory_space<vmem>>, %arg3: memref<256x64xf32, #tpu.memory_space<vmem>>, %arg4: memref<256x1xf32, #tpu.memory_space<vmem>>, %arg5: memref<256x128xf32, #tpu.memory_space<vmem>>, %arg6: memref<1x128xf32, #tpu.memory_space<vmem>>, %arg7: memref<128x64xf32, #tpu.memory_space<vmem>>, %arg8: memref<1x64xf32, #tpu.memory_space<vmem>>, %arg9: memref<256x64xf32, #tpu.memory_space<vmem>>) attributes {dimension_semantics = [#tpu.dimension_semantics<arbitrary>], iteration_bounds = array<i64: 56>, scalar_prefetch = 0 : i64, scratch_operands = 0 : i64, tpu.core_type = #tpu.core_type<tc>, window_params = [{transform_indices = @transform_0, window_bounds = array<i64: 2, 256, 64>}, {transform_indices = @transform_1, window_bounds = array<i64: 256, 64>}, {transform_indices = @transform_2, window_bounds = array<i64: 256, 64>}, {transform_indices = @transform_3, window_bounds = array<i64: 256, 1>}, {transform_indices = @transform_4, window_bounds = array<i64: 256, 128>}, {pipeline_mode = #tpu.pipeline_mode<synchronous>, transform_indices = @transform_5, window_bounds = array<i64: 1, 128>}, {pipeline_mode = #tpu.pipeline_mode<synchronous>, transform_indices = @transform_6, window_bounds = array<i64: 128, 64>}, {pipeline_mode = #tpu.pipeline_mode<synchronous>, transform_indices = @transform_7, window_bounds = array<i64: 1, 64>}, {transform_indices = @transform_8, window_bounds = array<i64: 256, 64>}]} {
    %get3A = arith.constant 0 : index
    %get3A_0 = arith.constant 0 : index
    %get3A_1 = arith.constant 0 : index
    %get3A_2 = vector.load %arg1[%get3A, %get3A_0, %get3A_1] : memref<2x256x64xf32, #tpu.memory_space<vmem>>, vector<1x256x64xf32>
    %get3A_3 = vector.shape_cast %get3A_2 : vector<1x256x64xf32> to vector<256x64xf32>
    %get3A_4 = arith.constant 0 : index
    %get3A_5 = arith.constant 0 : index
    %get3A_6 = vector.load %arg2[%get3A_4, %get3A_5] : memref<256x64xf32, #tpu.memory_space<vmem>>, vector<256x64xf32>
    %add3A = arith.addf %get3A_3, %get3A_6 : vector<256x64xf32>
    %get3A_7 = arith.constant 1 : index
    %get3A_8 = arith.constant 0 : index
    %get3A_9 = arith.constant 0 : index
    %get3A_10 = vector.load %arg1[%get3A_7, %get3A_8, %get3A_9] : memref<2x256x64xf32, #tpu.memory_space<vmem>>, vector<1x256x64xf32>
    %get3A_11 = vector.shape_cast %get3A_10 : vector<1x256x64xf32> to vector<256x64xf32>
    %get3A_12 = arith.constant 0 : index
    %get3A_13 = arith.constant 0 : index
    %get3A_14 = vector.load %arg3[%get3A_12, %get3A_13] : memref<256x64xf32, #tpu.memory_space<vmem>>, vector<256x64xf32>
    %add3A_15 = arith.addf %get3A_11, %get3A_14 : vector<256x64xf32>
    %concatenate3A = tpu.concatenate %add3A, %add3A_15 in 1 : vector<256x64xf32>, vector<256x64xf32> -> vector<256x128xf32>
    %get3A_16 = arith.constant 0 : index
    %get3A_17 = arith.constant 0 : index
    %get3A_18 = vector.load %arg4[%get3A_16, %get3A_17] : memref<256x1xf32, #tpu.memory_space<vmem>>, vector<256x1xf32>
    %mul3A = vector.broadcast %get3A_18 : vector<256x1xf32> to vector<256x128xf32>
    %mul3A_19 = arith.mulf %concatenate3A, %mul3A : vector<256x128xf32>
    %get3A_20 = arith.constant 0 : index
    %get3A_21 = arith.constant 0 : index
    %get3A_22 = vector.load %arg6[%get3A_20, %get3A_21] : memref<1x128xf32, #tpu.memory_space<vmem>>, vector<1x128xf32>
    %add3A_23 = vector.broadcast %get3A_22 : vector<1x128xf32> to vector<256x128xf32>
    %add3A_24 = arith.addf %mul3A_19, %add3A_23 : vector<256x128xf32>
    %max3A = arith.constant 0.000000e+00 : f32
    %max3A_25 = vector.broadcast %max3A : f32 to vector<256x128xf32>
    %max3A_26 = arith.maximumf %add3A_24, %max3A_25 : vector<256x128xf32>
    %get3A_27 = arith.constant 0 : index
    %get3A_28 = arith.constant 0 : index
    %get3A_29 = vector.load %arg5[%get3A_27, %get3A_28] : memref<256x128xf32, #tpu.memory_space<vmem>>, vector<256x128xf32>
    %add3A_30 = arith.addf %max3A_26, %get3A_29 : vector<256x128xf32>
    %get3A_31 = arith.constant 0 : index
    %get3A_32 = arith.constant 0 : index
    %get3A_33 = vector.load %arg7[%get3A_31, %get3A_32] : memref<128x64xf32, #tpu.memory_space<vmem>>, vector<128x64xf32>
    %dot_general3A = arith.constant dense<0.000000e+00> : vector<256x64xf32>
    %dot_general3A_34 = tpu.matmul %add3A_30, %get3A_33, %dot_general3A {dimension_numbers = #tpu.dot_dimension_numbers<[1], [0], [0], [1], [0, 0, 1, 1], [], []>, transpose_lhs_hint = false} : vector<256x128xf32>, vector<128x64xf32>, vector<256x64xf32> -> vector<256x64xf32>
    %get3A_35 = arith.constant 0 : index
    %get3A_36 = arith.constant 0 : index
    %get3A_37 = vector.load %arg8[%get3A_35, %get3A_36] : memref<1x64xf32, #tpu.memory_space<vmem>>, vector<1x64xf32>
    %add3A_38 = vector.broadcast %get3A_37 : vector<1x64xf32> to vector<256x64xf32>
    %add3A_39 = arith.addf %dot_general3A_34, %add3A_38 : vector<256x64xf32>
    %swap3A = arith.constant 0 : index
    %swap3A_40 = arith.constant 0 : index
    %swap3A_41 = vector.load %arg9[%swap3A, %swap3A_40] : memref<256x64xf32, #tpu.memory_space<vmem>>, vector<256x64xf32>
    tpu.vector_store %arg9[%swap3A, %swap3A_40], %add3A_39 {strides = array<i32>} : memref<256x64xf32, #tpu.memory_space<vmem>>, vector<256x64xf32>,
    return
  }
  func.func @transform_0(%arg0: i32) -> (i32, i32, i32) {
    %c0_i32 = arith.constant 0 : i32
    %c0_i32_0 = arith.constant 0 : i32
    %c0_i32_1 = arith.constant 0 : i32
    return %c0_i32, %arg0, %c0_i32_0 : i32, i32, i32
  }
  func.func @transform_1(%arg0: i32) -> (i32, i32) {
    %c0_i32 = arith.constant 0 : i32
    %c0_i32_0 = arith.constant 0 : i32
    return %arg0, %c0_i32 : i32, i32
  }
  func.func @transform_2(%arg0: i32) -> (i32, i32) {
    %c0_i32 = arith.constant 0 : i32
    %c0_i32_0 = arith.constant 0 : i32
    return %arg0, %c0_i32 : i32, i32
  }
  func.func @transform_3(%arg0: i32) -> (i32, i32) {
    %c0_i32 = arith.constant 0 : i32
    %c0_i32_0 = arith.constant 0 : i32
    return %arg0, %c0_i32 : i32, i32
  }
  func.func @transform_4(%arg0: i32) -> (i32, i32) {
    %c0_i32 = arith.constant 0 : i32
    %c0_i32_0 = arith.constant 0 : i32
    return %arg0, %c0_i32 : i32, i32
  }
  func.func @transform_5(%arg0: i32) -> (i32, i32) {
    %c0_i32 = arith.constant 0 : i32
    %c0_i32_0 = arith.constant 0 : i32
    %c0_i32_1 = arith.constant 0 : i32
    return %c0_i32, %c0_i32_0 : i32, i32
  }
  func.func @transform_6(%arg0: i32) -> (i32, i32) {
    %c0_i32 = arith.constant 0 : i32
    %c0_i32_0 = arith.constant 0 : i32
    %c0_i32_1 = arith.constant 0 : i32
    return %c0_i32, %c0_i32_0 : i32, i32
  }
  func.func @transform_7(%arg0: i32) -> (i32, i32) {
    %c0_i32 = arith.constant 0 : i32
    %c0_i32_0 = arith.constant 0 : i32
    %c0_i32_1 = arith.constant 0 : i32
    return %c0_i32, %c0_i32_0 : i32, i32
  }
  func.func @transform_8(%arg0: i32) -> (i32, i32) {
    %c0_i32 = arith.constant 0 : i32
    %c0_i32_0 = arith.constant 0 : i32
    return %arg0, %c0_i32 : i32, i32
  }
}

module attributes {stable_mosaic.version = 14 : i64} {
  func.func @_c_body(%arg0: i32, %arg1: memref<896x64xf32, #tpu.memory_space<vmem>>, %arg2: memref<3584x224xf32, #tpu.memory_space<vmem>>, %arg3: memref<3584x224xf32, #tpu.memory_space<vmem>>, %arg4: memref<32x32xf32, #tpu.memory_space<vmem>>, %arg5: memref<1x32xf32, #tpu.memory_space<vmem>>, %arg6: memref<1x32xf32, #tpu.memory_space<vmem>>, %arg7: memref<1x1xf32, #tpu.memory_space<vmem>>, %arg8: memref<1x32xf32, #tpu.memory_space<vmem>>, %arg9: memref<1x1xf32, #tpu.memory_space<vmem>>, %arg10: memref<64x224xf32, #tpu.memory_space<vmem>>, %arg11: memref<64x1xf32, #tpu.memory_space<vmem>>, %arg12: memref<1x224xf32, #tpu.memory_space<vmem>>, %arg13: memref<64x224xf32, #tpu.memory_space<vmem>>, %arg14: memref<64x1xf32, #tpu.memory_space<vmem>>, %arg15: memref<64x224xf32, #tpu.memory_space<vmem>>, %arg16: memref<64x224xf32, #tpu.memory_space<vmem>>) attributes {dimension_semantics = [#tpu.dimension_semantics<arbitrary>], iteration_bounds = array<i64: 16>, scalar_prefetch = 0 : i64, scratch_operands = 2 : i64, tpu.core_type = #tpu.core_type<tc>, window_params = [{transform_indices = @transform_0, window_bounds = array<i64: 896, 64>}, {pipeline_mode = #tpu.pipeline_mode<synchronous>, transform_indices = @transform_1, window_bounds = array<i64: 3584, 224>}, {pipeline_mode = #tpu.pipeline_mode<synchronous>, transform_indices = @transform_2, window_bounds = array<i64: 3584, 224>}, {pipeline_mode = #tpu.pipeline_mode<synchronous>, transform_indices = @transform_3, window_bounds = array<i64: 32, 32>}, {pipeline_mode = #tpu.pipeline_mode<synchronous>, transform_indices = @transform_4, window_bounds = array<i64: 1, 32>}, {pipeline_mode = #tpu.pipeline_mode<synchronous>, transform_indices = @transform_5, window_bounds = array<i64: 1, 32>}, {pipeline_mode = #tpu.pipeline_mode<synchronous>, transform_indices = @transform_6, window_bounds = array<i64: 1, 1>}, {pipeline_mode = #tpu.pipeline_mode<synchronous>, transform_indices = @transform_7, window_bounds = array<i64: 1, 32>}, {pipeline_mode = #tpu.pipeline_mode<synchronous>, transform_indices = @transform_8, window_bounds = array<i64: 1, 1>}, {transform_indices = @transform_9, window_bounds = array<i64: 64, 224>}, {transform_indices = @transform_10, window_bounds = array<i64: 64, 1>}, {pipeline_mode = #tpu.pipeline_mode<synchronous>, transform_indices = @transform_11, window_bounds = array<i64: 1, 224>}, {transform_indices = @transform_12, window_bounds = array<i64: 64, 224>}, {transform_indices = @transform_13, window_bounds = array<i64: 64, 1>}]} {
    %get3A = arith.constant 0 : index
    %get3A_0 = arith.constant 0 : index
    %get3A_1 = vector.load %arg1[%get3A, %get3A_0] : memref<896x64xf32, #tpu.memory_space<vmem>>, vector<896x64xf32>
    %slice3A = vector.extract_strided_slice %get3A_1 {offsets = [0, 0], sizes = [224, 64], strides = [1, 1]} : vector<896x64xf32> to vector<224x64xf32>
    %get3A_2 = arith.constant 0 : index
    %get3A_3 = arith.constant 0 : index
    %get3A_4 = vector.load %arg2[%get3A_2, %get3A_3] : memref<3584x224xf32, #tpu.memory_space<vmem>>, vector<3584x224xf32>
    %slice3A_5 = vector.extract_strided_slice %slice3A {offsets = [0, 0], sizes = [224, 32], strides = [1, 1]} : vector<224x64xf32> to vector<224x32xf32>
    %dot_general3A = arith.constant dense<0.000000e+00> : vector<3584x32xf32>
    %dot_general3A_6 = tpu.matmul %get3A_4, %slice3A_5, %dot_general3A {dimension_numbers = #tpu.dot_dimension_numbers<[1], [0], [0], [1], [0, 0, 1, 1], [], []>, transpose_lhs_hint = false} : vector<3584x224xf32>, vector<224x32xf32>, vector<3584x32xf32> -> vector<3584x32xf32>
    %get3A_7 = arith.constant 0 : index
    %get3A_8 = arith.constant 0 : index
    %get3A_9 = vector.load %arg3[%get3A_7, %get3A_8] : memref<3584x224xf32, #tpu.memory_space<vmem>>, vector<3584x224xf32>
    %slice3A_10 = vector.extract_strided_slice %slice3A {offsets = [0, 32], sizes = [224, 32], strides = [1, 1]} : vector<224x64xf32> to vector<224x32xf32>
    %dot_general3A_11 = arith.constant dense<0.000000e+00> : vector<3584x32xf32>
    %dot_general3A_12 = tpu.matmul %get3A_9, %slice3A_10, %dot_general3A_11 {dimension_numbers = #tpu.dot_dimension_numbers<[1], [0], [0], [1], [0, 0, 1, 1], [], []>, transpose_lhs_hint = false} : vector<3584x224xf32>, vector<224x32xf32>, vector<3584x32xf32> -> vector<3584x32xf32>
    %add3A = arith.addf %dot_general3A_6, %dot_general3A_12 : vector<3584x32xf32>
    %slice3A_13 = vector.extract_strided_slice %get3A_1 {offsets = [224, 0], sizes = [224, 64], strides = [1, 1]} : vector<896x64xf32> to vector<224x64xf32>
    %get3A_14 = arith.constant 0 : index
    %get3A_15 = arith.constant 0 : index
    %get3A_16 = vector.load %arg2[%get3A_14, %get3A_15] : memref<3584x224xf32, #tpu.memory_space<vmem>>, vector<3584x224xf32>
    %slice3A_17 = vector.extract_strided_slice %slice3A_13 {offsets = [0, 0], sizes = [224, 32], strides = [1, 1]} : vector<224x64xf32> to vector<224x32xf32>
    %dot_general3A_18 = arith.constant dense<0.000000e+00> : vector<3584x32xf32>
    %dot_general3A_19 = tpu.matmul %get3A_16, %slice3A_17, %dot_general3A_18 {dimension_numbers = #tpu.dot_dimension_numbers<[1], [0], [0], [1], [0, 0, 1, 1], [], []>, transpose_lhs_hint = false} : vector<3584x224xf32>, vector<224x32xf32>, vector<3584x32xf32> -> vector<3584x32xf32>
    %get3A_20 = arith.constant 0 : index
    %get3A_21 = arith.constant 0 : index
    %get3A_22 = vector.load %arg3[%get3A_20, %get3A_21] : memref<3584x224xf32, #tpu.memory_space<vmem>>, vector<3584x224xf32>
    %slice3A_23 = vector.extract_strided_slice %slice3A_13 {offsets = [0, 32], sizes = [224, 32], strides = [1, 1]} : vector<224x64xf32> to vector<224x32xf32>
    %dot_general3A_24 = arith.constant dense<0.000000e+00> : vector<3584x32xf32>
    %dot_general3A_25 = tpu.matmul %get3A_22, %slice3A_23, %dot_general3A_24 {dimension_numbers = #tpu.dot_dimension_numbers<[1], [0], [0], [1], [0, 0, 1, 1], [], []>, transpose_lhs_hint = false} : vector<3584x224xf32>, vector<224x32xf32>, vector<3584x32xf32> -> vector<3584x32xf32>
    %add3A_26 = arith.addf %dot_general3A_19, %dot_general3A_25 : vector<3584x32xf32>
    %slice3A_27 = vector.extract_strided_slice %get3A_1 {offsets = [448, 0], sizes = [224, 64], strides = [1, 1]} : vector<896x64xf32> to vector<224x64xf32>
    %get3A_28 = arith.constant 0 : index
    %get3A_29 = arith.constant 0 : index
    %get3A_30 = vector.load %arg2[%get3A_28, %get3A_29] : memref<3584x224xf32, #tpu.memory_space<vmem>>, vector<3584x224xf32>
    %slice3A_31 = vector.extract_strided_slice %slice3A_27 {offsets = [0, 0], sizes = [224, 32], strides = [1, 1]} : vector<224x64xf32> to vector<224x32xf32>
    %dot_general3A_32 = arith.constant dense<0.000000e+00> : vector<3584x32xf32>
    %dot_general3A_33 = tpu.matmul %get3A_30, %slice3A_31, %dot_general3A_32 {dimension_numbers = #tpu.dot_dimension_numbers<[1], [0], [0], [1], [0, 0, 1, 1], [], []>, transpose_lhs_hint = false} : vector<3584x224xf32>, vector<224x32xf32>, vector<3584x32xf32> -> vector<3584x32xf32>
    %get3A_34 = arith.constant 0 : index
    %get3A_35 = arith.constant 0 : index
    %get3A_36 = vector.load %arg3[%get3A_34, %get3A_35] : memref<3584x224xf32, #tpu.memory_space<vmem>>, vector<3584x224xf32>
    %slice3A_37 = vector.extract_strided_slice %slice3A_27 {offsets = [0, 32], sizes = [224, 32], strides = [1, 1]} : vector<224x64xf32> to vector<224x32xf32>
    %dot_general3A_38 = arith.constant dense<0.000000e+00> : vector<3584x32xf32>
    %dot_general3A_39 = tpu.matmul %get3A_36, %slice3A_37, %dot_general3A_38 {dimension_numbers = #tpu.dot_dimension_numbers<[1], [0], [0], [1], [0, 0, 1, 1], [], []>, transpose_lhs_hint = false} : vector<3584x224xf32>, vector<224x32xf32>, vector<3584x32xf32> -> vector<3584x32xf32>
    %add3A_40 = arith.addf %dot_general3A_33, %dot_general3A_39 : vector<3584x32xf32>
    %slice3A_41 = vector.extract_strided_slice %get3A_1 {offsets = [672, 0], sizes = [224, 64], strides = [1, 1]} : vector<896x64xf32> to vector<224x64xf32>
    %get3A_42 = arith.constant 0 : index
    %get3A_43 = arith.constant 0 : index
    %get3A_44 = vector.load %arg2[%get3A_42, %get3A_43] : memref<3584x224xf32, #tpu.memory_space<vmem>>, vector<3584x224xf32>
    %slice3A_45 = vector.extract_strided_slice %slice3A_41 {offsets = [0, 0], sizes = [224, 32], strides = [1, 1]} : vector<224x64xf32> to vector<224x32xf32>
    %dot_general3A_46 = arith.constant dense<0.000000e+00> : vector<3584x32xf32>
    %dot_general3A_47 = tpu.matmul %get3A_44, %slice3A_45, %dot_general3A_46 {dimension_numbers = #tpu.dot_dimension_numbers<[1], [0], [0], [1], [0, 0, 1, 1], [], []>, transpose_lhs_hint = false} : vector<3584x224xf32>, vector<224x32xf32>, vector<3584x32xf32> -> vector<3584x32xf32>
    %get3A_48 = arith.constant 0 : index
    %get3A_49 = arith.constant 0 : index
    %get3A_50 = vector.load %arg3[%get3A_48, %get3A_49] : memref<3584x224xf32, #tpu.memory_space<vmem>>, vector<3584x224xf32>
    %slice3A_51 = vector.extract_strided_slice %slice3A_41 {offsets = [0, 32], sizes = [224, 32], strides = [1, 1]} : vector<224x64xf32> to vector<224x32xf32>
    %dot_general3A_52 = arith.constant dense<0.000000e+00> : vector<3584x32xf32>
    %dot_general3A_53 = tpu.matmul %get3A_50, %slice3A_51, %dot_general3A_52 {dimension_numbers = #tpu.dot_dimension_numbers<[1], [0], [0], [1], [0, 0, 1, 1], [], []>, transpose_lhs_hint = false} : vector<3584x224xf32>, vector<224x32xf32>, vector<3584x32xf32> -> vector<3584x32xf32>
    %add3A_54 = arith.addf %dot_general3A_47, %dot_general3A_53 : vector<3584x32xf32>
    %concatenate3A = tpu.concatenate %add3A, %add3A_26, %add3A_40, %add3A_54 in 0 : vector<3584x32xf32>, vector<3584x32xf32>, vector<3584x32xf32>, vector<3584x32xf32> -> vector<14336x32xf32>
    %gt3A = arith.constant 0.000000e+00 : f32
    %gt3A_55 = vector.broadcast %gt3A : f32 to vector<14336x32xf32>
    %gt3A_56 = arith.cmpf ogt, %concatenate3A, %gt3A_55 : vector<14336x32xf32>
    %mul3A = arith.constant 0.00999999977 : f32
    %mul3A_57 = vector.broadcast %mul3A : f32 to vector<14336x32xf32>
    %mul3A_58 = arith.mulf %mul3A_57, %concatenate3A : vector<14336x32xf32>
    %select_n3A = arith.select %gt3A_56, %concatenate3A, %mul3A_58 : vector<14336x32xi1>, vector<14336x32xf32>
    %get3A_59 = arith.constant 0 : index
    %get3A_60 = arith.constant 0 : index
    %get3A_61 = vector.load %arg4[%get3A_59, %get3A_60] : memref<32x32xf32, #tpu.memory_space<vmem>>, vector<32x32xf32>
    %dot_general3A_62 = arith.constant dense<0.000000e+00> : vector<14336x32xf32>
    %dot_general3A_63 = tpu.matmul %select_n3A, %get3A_61, %dot_general3A_62 {dimension_numbers = #tpu.dot_dimension_numbers<[1], [0], [0], [1], [0, 0, 1, 1], [], []>, transpose_lhs_hint = false} : vector<14336x32xf32>, vector<32x32xf32>, vector<14336x32xf32> -> vector<14336x32xf32>
    %get3A_64 = arith.constant 0 : index
    %get3A_65 = arith.constant 0 : index
    %get3A_66 = vector.load %arg5[%get3A_64, %get3A_65] : memref<1x32xf32, #tpu.memory_space<vmem>>, vector<1x32xf32>
    %add3A_67 = vector.broadcast %get3A_66 : vector<1x32xf32> to vector<14336x32xf32>
    %add3A_68 = arith.addf %dot_general3A_63, %add3A_67 : vector<14336x32xf32>
    %gt3A_69 = arith.constant 0.000000e+00 : f32
    %gt3A_70 = vector.broadcast %gt3A_69 : f32 to vector<14336x32xf32>
    %gt3A_71 = arith.cmpf ogt, %add3A_68, %gt3A_70 : vector<14336x32xf32>
    %mul3A_72 = arith.constant 0.00999999977 : f32
    %mul3A_73 = vector.broadcast %mul3A_72 : f32 to vector<14336x32xf32>
    %mul3A_74 = arith.mulf %mul3A_73, %add3A_68 : vector<14336x32xf32>
    %select_n3A_75 = arith.select %gt3A_71, %add3A_68, %mul3A_74 : vector<14336x32xi1>, vector<14336x32xf32>
    %reshape3A = vector.shape_cast %select_n3A_75 : vector<14336x32xf32> to vector<64x224x32xf32>
    %get3A_76 = arith.constant 0 : index
    %get3A_77 = arith.constant 0 : index
    %get3A_78 = vector.load %arg6[%get3A_76, %get3A_77] : memref<1x32xf32, #tpu.memory_space<vmem>>, vector<1x32xf32>
    %broadcast_in_dim3A = vector.shape_cast %get3A_78 : vector<1x32xf32> to vector<1x1x32xf32>
    %mul3A_79 = vector.broadcast %broadcast_in_dim3A : vector<1x1x32xf32> to vector<64x224x32xf32>
    %mul3A_80 = arith.mulf %reshape3A, %mul3A_79 : vector<64x224x32xf32>
    %reduce_sum3A = arith.constant dense<0.000000e+00> : vector<64x224xf32>
    %reduce_sum3A_81 = vector.multi_reduction <add>, %mul3A_80, %reduce_sum3A [2] : vector<64x224x32xf32> to vector<64x224xf32>
    %get3A_82 = arith.constant 0 : index
    %get3A_83 = arith.constant 0 : index
    %get3A_84 = vector.load %arg7[%get3A_82, %get3A_83] : memref<1x1xf32, #tpu.memory_space<vmem>>, vector<1x1xf32>
    %get3A_85 = vector.extract %get3A_84[0, 0] : f32 from vector<1x1xf32>
    %add3A_86 = vector.broadcast %get3A_85 : f32 to vector<64x224xf32>
    %add3A_87 = arith.addf %reduce_sum3A_81, %add3A_86 : vector<64x224xf32>
    %swap3A = arith.constant 0 : index
    %swap3A_88 = arith.constant 0 : index
    %swap3A_89 = vector.load %arg15[%swap3A, %swap3A_88] : memref<64x224xf32, #tpu.memory_space<vmem>>, vector<64x224xf32>
    tpu.vector_store %arg15[%swap3A, %swap3A_88], %add3A_87 {strides = array<i32>} : memref<64x224xf32, #tpu.memory_space<vmem>>, vector<64x224xf32>,
    %get3A_90 = arith.constant 0 : index
    %get3A_91 = arith.constant 0 : index
    %get3A_92 = vector.load %arg8[%get3A_90, %get3A_91] : memref<1x32xf32, #tpu.memory_space<vmem>>, vector<1x32xf32>
    %broadcast_in_dim3A_93 = vector.shape_cast %get3A_92 : vector<1x32xf32> to vector<1x1x32xf32>
    %mul3A_94 = vector.broadcast %broadcast_in_dim3A_93 : vector<1x1x32xf32> to vector<64x224x32xf32>
    %mul3A_95 = arith.mulf %reshape3A, %mul3A_94 : vector<64x224x32xf32>
    %reduce_sum3A_96 = arith.constant dense<0.000000e+00> : vector<64x224xf32>
    %reduce_sum3A_97 = vector.multi_reduction <add>, %mul3A_95, %reduce_sum3A_96 [2] : vector<64x224x32xf32> to vector<64x224xf32>
    %get3A_98 = arith.constant 0 : index
    %get3A_99 = arith.constant 0 : index
    %get3A_100 = vector.load %arg9[%get3A_98, %get3A_99] : memref<1x1xf32, #tpu.memory_space<vmem>>, vector<1x1xf32>
    %get3A_101 = vector.extract %get3A_100[0, 0] : f32 from vector<1x1xf32>
    %add3A_102 = vector.broadcast %get3A_101 : f32 to vector<64x224xf32>
    %add3A_103 = arith.addf %reduce_sum3A_97, %add3A_102 : vector<64x224xf32>
    %swap3A_104 = arith.constant 0 : index
    %swap3A_105 = arith.constant 0 : index
    %swap3A_106 = vector.load %arg16[%swap3A_104, %swap3A_105] : memref<64x224xf32, #tpu.memory_space<vmem>>, vector<64x224xf32>
    tpu.vector_store %arg16[%swap3A_104, %swap3A_105], %add3A_103 {strides = array<i32>} : memref<64x224xf32, #tpu.memory_space<vmem>>, vector<64x224xf32>,
    %get3A_107 = arith.constant 0 : index
    %get3A_108 = arith.constant 0 : index
    %get3A_109 = vector.load %arg15[%get3A_107, %get3A_108] : memref<64x224xf32, #tpu.memory_space<vmem>>, vector<64x224xf32>
    %max3A = arith.constant 0.000000e+00 : f32
    %max3A_110 = vector.broadcast %max3A : f32 to vector<64x224xf32>
    %max3A_111 = arith.maximumf %get3A_109, %max3A_110 : vector<64x224xf32>
    %abs3A = math.absf %get3A_109 : vector<64x224xf32>
    %neg3A = arith.constant 0.000000e+00 : f32
    %neg3A_112 = vector.broadcast %neg3A : f32 to vector<64x224xf32>
    %neg3A_113 = arith.subf %neg3A_112, %abs3A : vector<64x224xf32>
    %exp3A = math.exp %neg3A_113 : vector<64x224xf32>
    %log1p3A = math.log1p %exp3A : vector<64x224xf32>
    %add3A_114 = arith.addf %max3A_111, %log1p3A : vector<64x224xf32>
    %get3A_115 = arith.constant 0 : index
    %get3A_116 = arith.constant 0 : index
    %get3A_117 = vector.load %arg16[%get3A_115, %get3A_116] : memref<64x224xf32, #tpu.memory_space<vmem>>, vector<64x224xf32>
    %max3A_118 = arith.constant 0.000000e+00 : f32
    %max3A_119 = vector.broadcast %max3A_118 : f32 to vector<64x224xf32>
    %max3A_120 = arith.maximumf %get3A_117, %max3A_119 : vector<64x224xf32>
    %abs3A_121 = math.absf %get3A_117 : vector<64x224xf32>
    %neg3A_122 = arith.constant 0.000000e+00 : f32
    %neg3A_123 = vector.broadcast %neg3A_122 : f32 to vector<64x224xf32>
    %neg3A_124 = arith.subf %neg3A_123, %abs3A_121 : vector<64x224xf32>
    %exp3A_125 = math.exp %neg3A_124 : vector<64x224xf32>
    %log1p3A_126 = math.log1p %exp3A_125 : vector<64x224xf32>
    %add3A_127 = arith.addf %max3A_120, %log1p3A_126 : vector<64x224xf32>
    %get3A_128 = arith.constant 0 : index
    %get3A_129 = arith.constant 0 : index
    %get3A_130 = vector.load %arg10[%get3A_128, %get3A_129] : memref<64x224xf32, #tpu.memory_space<vmem>>, vector<64x224xf32>
    %mul3A_131 = arith.mulf %add3A_127, %get3A_130 : vector<64x224xf32>
    %add3A_132 = arith.addf %add3A_114, %mul3A_131 : vector<64x224xf32>
    %swap3A_133 = arith.constant 0 : index
    %swap3A_134 = arith.constant 0 : index
    %swap3A_135 = vector.load %arg13[%swap3A_133, %swap3A_134] : memref<64x224xf32, #tpu.memory_space<vmem>>, vector<64x224xf32>
    tpu.vector_store %arg13[%swap3A_133, %swap3A_134], %add3A_132 {strides = array<i32>} : memref<64x224xf32, #tpu.memory_space<vmem>>, vector<64x224xf32>,
    %get3A_136 = arith.constant 0 : index
    %get3A_137 = arith.constant 0 : index
    %get3A_138 = vector.load %arg11[%get3A_136, %get3A_137] : memref<64x1xf32, #tpu.memory_space<vmem>>, vector<64x1xf32>
    %log3A = math.log %add3A_127 : vector<64x224xf32>
    %get3A_139 = arith.constant 0 : index
    %get3A_140 = arith.constant 0 : index
    %get3A_141 = vector.load %arg12[%get3A_139, %get3A_140] : memref<1x224xf32, #tpu.memory_space<vmem>>, vector<1x224xf32>
    %mul3A_142 = vector.broadcast %get3A_141 : vector<1x224xf32> to vector<64x224xf32>
    %mul3A_143 = arith.mulf %log3A, %mul3A_142 : vector<64x224xf32>
    %reduce_sum3A_144 = arith.constant dense<0.000000e+00> : vector<64xf32>
    %reduce_sum3A_145 = vector.multi_reduction <add>, %mul3A_143, %reduce_sum3A_144 [1] : vector<64x224xf32> to vector<64xf32>
    %broadcast_in_dim3A_146 = vector.shape_cast %reduce_sum3A_145 : vector<64xf32> to vector<64x1xf32>
    %sub3A = arith.subf %get3A_138, %broadcast_in_dim3A_146 : vector<64x1xf32>
    %swap3A_147 = arith.constant 0 : index
    %swap3A_148 = arith.constant 0 : index
    %swap3A_149 = vector.load %arg14[%swap3A_147, %swap3A_148] : memref<64x1xf32, #tpu.memory_space<vmem>>, vector<64x1xf32>
    tpu.vector_store %arg14[%swap3A_147, %swap3A_148], %sub3A {strides = array<i32>} : memref<64x1xf32, #tpu.memory_space<vmem>>, vector<64x1xf32>,
    return
  }
  func.func @transform_0(%arg0: i32) -> (i32, i32) {
    %c0_i32 = arith.constant 0 : i32
    %c0_i32_0 = arith.constant 0 : i32
    return %arg0, %c0_i32 : i32, i32
  }
  func.func @transform_1(%arg0: i32) -> (i32, i32) {
    %c0_i32 = arith.constant 0 : i32
    %c0_i32_0 = arith.constant 0 : i32
    %c0_i32_1 = arith.constant 0 : i32
    return %c0_i32, %c0_i32_0 : i32, i32
  }
  func.func @transform_2(%arg0: i32) -> (i32, i32) {
    %c0_i32 = arith.constant 0 : i32
    %c0_i32_0 = arith.constant 0 : i32
    %c0_i32_1 = arith.constant 0 : i32
    return %c0_i32, %c0_i32_0 : i32, i32
  }
  func.func @transform_3(%arg0: i32) -> (i32, i32) {
    %c0_i32 = arith.constant 0 : i32
    %c0_i32_0 = arith.constant 0 : i32
    %c0_i32_1 = arith.constant 0 : i32
    return %c0_i32, %c0_i32_0 : i32, i32
  }
  func.func @transform_4(%arg0: i32) -> (i32, i32) {
    %c0_i32 = arith.constant 0 : i32
    %c0_i32_0 = arith.constant 0 : i32
    %c0_i32_1 = arith.constant 0 : i32
    return %c0_i32, %c0_i32_0 : i32, i32
  }
  func.func @transform_5(%arg0: i32) -> (i32, i32) {
    %c0_i32 = arith.constant 0 : i32
    %c0_i32_0 = arith.constant 0 : i32
    %c0_i32_1 = arith.constant 0 : i32
    return %c0_i32, %c0_i32_0 : i32, i32
  }
  func.func @transform_6(%arg0: i32) -> (i32, i32) {
    %c0_i32 = arith.constant 0 : i32
    %c0_i32_0 = arith.constant 0 : i32
    %c0_i32_1 = arith.constant 0 : i32
    return %c0_i32, %c0_i32_0 : i32, i32
  }
  func.func @transform_7(%arg0: i32) -> (i32, i32) {
    %c0_i32 = arith.constant 0 : i32
    %c0_i32_0 = arith.constant 0 : i32
    %c0_i32_1 = arith.constant 0 : i32
    return %c0_i32, %c0_i32_0 : i32, i32
  }
  func.func @transform_8(%arg0: i32) -> (i32, i32) {
    %c0_i32 = arith.constant 0 : i32
    %c0_i32_0 = arith.constant 0 : i32
    %c0_i32_1 = arith.constant 0 : i32
    return %c0_i32, %c0_i32_0 : i32, i32
  }
  func.func @transform_9(%arg0: i32) -> (i32, i32) {
    %c0_i32 = arith.constant 0 : i32
    %c0_i32_0 = arith.constant 0 : i32
    return %arg0, %c0_i32 : i32, i32
  }
  func.func @transform_10(%arg0: i32) -> (i32, i32) {
    %c0_i32 = arith.constant 0 : i32
    %c0_i32_0 = arith.constant 0 : i32
    return %arg0, %c0_i32 : i32, i32
  }
  func.func @transform_11(%arg0: i32) -> (i32, i32) {
    %c0_i32 = arith.constant 0 : i32
    %c0_i32_0 = arith.constant 0 : i32
    %c0_i32_1 = arith.constant 0 : i32
    return %c0_i32, %c0_i32_0 : i32, i32
  }
  func.func @transform_12(%arg0: i32) -> (i32, i32) {
    %c0_i32 = arith.constant 0 : i32
    %c0_i32_0 = arith.constant 0 : i32
    return %arg0, %c0_i32 : i32, i32
  }
  func.func @transform_13(%arg0: i32) -> (i32, i32) {
    %c0_i32 = arith.constant 0 : i32
    %c0_i32_0 = arith.constant 0 : i32
    return %arg0, %c0_i32 : i32, i32
  }
}

</mosaic_0001>

<sc_bundles>
// kernel: kernel.10.cloned.1.call-start
scs
__scs_entry_jumppad:
0x0: {  	(pc) =	sbr.rel $0x88, $3  }
0x1: {  	(tag) =	ssettag $0x0;
	lr =	simm.s32 $0x1  }
0x2: {  	[smem:$0x3F95] =	sst lr;
	_ =	strace $0xD0000000  }
0x3: {  	_ = 	snop  }
0x4: {  	_ = 	snop  }
0x5: {  	_ = 	snop  }
0x6: {  	_ = 	snop  }
0x7: {  	_ = 	snop  }
__scs_overlays_trampoline_lowered:
0x8: {  	[smem:$0x3FA4] =	sst s0  }
0x9: {  	[smem:$0x3FA5] =	sst s1  }
0xa: {  	[smem:$0x3FA6] =	sst s2  }
0xb: {  	[smem:$0x3FA7] =	sst s3  }
0xc: {  	[smem:$0x3FA8] =	sst s4  }
0xd: {  	[smem:$0x3FA9] =	sst s5  }
0xe: {  	[smem:$0x3FAA] =	sst s6  }
0xf: {  	[smem:$0x3FAB] =	sst s7  }
0x10: {  	[smem:$0x3FAC] =	sst s8  }
0x11: {  	[smem:$0x3FAD] =	sst s9;
	s0 =	simm.s32 @!p0 $0x0  }
0x12: {  	s1 =	sld [smem:$0x3F93];
	s0 =	simm.s32 @p0 $0x1  }
0x13: {  	[smem:$0x3FAE] =	sst s0;
	s0 =	simm.s32 @!p1 $0x0  }
0x14: {  	s2 =	sld [smem:$0x3F92];
	s0 =	simm.s32 @p1 $0x1  }
0x15: {  	[smem:$0x3FAF] =	sst s0;
	s0 =	simm.s32 @!p2 $0x0  }
0x16: {  	s3 =	sld [smem:$0x3FDB];
	s0 =	simm.s32 @p2 $0x1  }
0x17: {  	s4 =	simm.s32 $0x1BF5;
	[smem:$0x3FB1] =	sst s0  }
0x18: {  	s0 =	sld [smem:$0x3F94];
	_ =	swait.ge [sflag:s4], $0x0  }
0x19: {  	s7 =	sld [smem:$0x3F95]  }
0x1a: {  	s8 =	sadd.s32 $0xFFFFE003, lr  }
0x1b: {  	s9 =	sadd.s32 $0xFFFFFEF7, lr;
	s5 =	simm.s32 $0xFFFFFFFF;
	p2 =	slt.u32 s8, $0xFFFFF086  }
0x1c: {  	p1 =	slt.u32 s9, $0xF7A;
	s5 =	simm.s32 @!p2 $0x0  }
0x1d: {  	s5 =	simm.s32 @p1 $0x1;
	p0 =	seq.s32 s7, s2  }
0x1e: {  	s7 =	smul.u32 @!p0 $0xF7A, s2;
	p2 =	seq.s32 @!p0 s5, $0x0  }
0x1f: {  	s9 =	smul.u32 $0xF7A, s1;
	s8 =	simm.s32 @!p0 $0x1BF5;
	p2 =	por !p2, p0  }
0x20: {  	[sflag:s8] =	ssyncset.s32 @!p0 $0xFFFFF086;
	s6 =	sadd.s32 @!p0 s3, s7;
	s7 =	simm.s32 @!p0 $0x108  }
0x21: {  	s3 =	sadd.s32 s3, s9;
	s6 =	sadd.s32 @!p0 $0x88, s6;
	s7 =	simm.s32 @p2 $0x1082  }
0x22: {  	[simem:s7], [sflag:s8] =	dma.local @!p0 [hbm:s6], $0xF7A  }
0x23: {  	s9 =	sor.u32 $0xD0000000, s2;
	s6 =	simm.s32 $0x108;
	_ =	swait.ge @!p0 [sflag:s8], $0x0  }
0x24: {  	s3 =	sadd.s32 $0x88, s3;
	s6 =	simm.s32 @!p1 $0x1082;
	[sflag:s4] =	ssyncset.s32 $0xFFFFF086  }
0x25: {  	[simem:s6], [sflag:s4] =	dma.local [hbm:s3], $0xF7A  }
0x26: {  	[smem:$0x3F95] =	sst s1;
	(tag) =	ssettag s2;
	_ =	strace s9  }
0x27: {  	s1 =	sld [smem:$0x3FA5]  }
0x28: {  	s2 =	sld [smem:$0x3FA6]  }
0x29: {  	s4 =	sld [smem:$0x3FA8]  }
0x2a: {  	p0 =	seq.s32 s5, $0x0;
	s5 =	sld [smem:$0x3FA9]  }
0x2b: {  	s6 =	sld [smem:$0x3FAA]  }
0x2c: {  	s7 =	sld [smem:$0x3FAB]  }
0x2d: {  	s3 =	simm.s32 $0x108;
	s8 =	sld [smem:$0x3FAC]  }
0x2e: {  	s3 =	simm.s32 @!p0 $0x1082;
	s9 =	sld [smem:$0x3FAD]  }
0x2f: {  	lr =	sadd.s32 s0, s3;
	s0 =	sld [smem:$0x3FA4]  }
0x30: {  	s3 =	sld [smem:$0x3FA7]  }
0x31: {  	[smem:$0x3FB0] =	sst s10  }
0x32: {  	s10 =	sld [smem:$0x3FAE];
	_ =	sdelay $0x3  }
0x33: {  	p0 =	seq.s32 s10, $0x1;
	s10 =	sld [smem:$0x3FB0];
	_ =	sdelay $0x3  }
0x34: {  	[smem:$0x3FB0] =	sst s10  }
0x35: {  	s10 =	sld [smem:$0x3FAF];
	_ =	sdelay $0x3  }
0x36: {  	p1 =	seq.s32 s10, $0x1;
	s10 =	sld [smem:$0x3FB0];
	_ =	sdelay $0x3  }
0x37: {  	[smem:$0x3FB0] =	sst s10  }
0x38: {  	s10 =	sld [smem:$0x3FB1]  }
0x39: {  	_ = 	snop;
	(pc) =	sbr.ind lr, $3  }
0x3a: {  	_ = 	snop  }
0x3b: {  	_ = 	snop  }
0x3c: {  	p2 =	seq.s32 s10, $0x1;
	s10 =	sld [smem:$0x3FB0]  }
0x3d: {  	_ =	shalt  }
0x3e: {  	_ =	shalt  }
0x3f: {  	_ =	shalt  }
0x40: {  	_ =	shalt  }
0x41: {  	_ =	shalt  }
0x42: {  	_ =	shalt  }
0x43: {  	_ =	shalt  }
0x44: {  	_ =	shalt  }
0x45: {  	_ =	shalt  }
0x46: {  	_ =	shalt  }
0x47: {  	_ =	shalt  }
0x48: {  	_ =	shalt  }
0x49: {  	_ =	shalt  }
0x4a: {  	_ =	shalt  }
0x4b: {  	_ =	shalt  }
0x4c: {  	_ =	shalt  }
0x4d: {  	_ =	shalt  }
0x4e: {  	_ =	shalt  }
0x4f: {  	_ =	shalt  }
0x50: {  	_ =	shalt  }
0x51: {  	_ =	shalt  }
0x52: {  	_ =	shalt  }
0x53: {  	_ =	shalt  }
0x54: {  	_ =	shalt  }
0x55: {  	_ =	shalt  }
0x56: {  	_ =	shalt  }
0x57: {  	_ =	shalt  }
0x58: {  	_ =	shalt  }
0x59: {  	_ =	shalt  }
0x5a: {  	_ =	shalt  }
0x5b: {  	_ =	shalt  }
0x5c: {  	_ =	shalt  }
0x5d: {  	_ =	shalt  }
0x5e: {  	_ =	shalt  }
0x5f: {  	_ =	shalt  }
0x60: {  	_ =	shalt  }
0x61: {  	_ =	shalt  }
0x62: {  	_ =	shalt  }
0x63: {  	_ =	shalt  }
0x64: {  	_ =	shalt  }
0x65: {  	_ =	shalt  }
0x66: {  	_ =	shalt  }
0x67: {  	_ =	shalt  }
0x68: {  	_ =	shalt  }
0x69: {  	_ =	shalt  }
0x6a: {  	_ =	shalt  }
0x6b: {  	_ =	shalt  }
0x6c: {  	_ =	shalt  }
0x6d: {  	_ =	shalt  }
0x6e: {  	_ =	shalt  }
0x6f: {  	_ =	shalt  }
0x70: {  	_ =	shalt  }
0x71: {  	_ =	shalt  }
0x72: {  	_ =	shalt  }
0x73: {  	_ =	shalt  }
0x74: {  	_ =	shalt  }
0x75: {  	_ =	shalt  }
0x76: {  	_ =	shalt  }
0x77: {  	_ =	shalt  }
0x78: {  	_ =	shalt  }
0x79: {  	_ =	shalt  }
0x7a: {  	_ =	shalt  }
0x7b: {  	_ =	shalt  }
0x7c: {  	_ =	shalt  }
0x7d: {  	_ =	shalt  }
0x7e: {  	_ =	shalt  }
0x7f: {  	_ =	shalt  }
0x80: {  	_ =	shalt  }
0x81: {  	_ =	shalt  }
0x82: {  	_ =	shalt  }
0x83: {  	_ =	shalt  }
0x84: {  	_ =	shalt  }
0x85: {  	_ =	shalt  }
0x86: {  	_ =	shalt  }
0x87: {  	_ =	shalt  }
.Lfunc_end0:
.L_simem_size_0:
called_computation.1_lowered:
.L_overlay_start_0:
0x88: {  	s2 =	sld [smem:$0x3FD9]  }
0x89: {  	s3 =	sld [smem:$0x3FFE];
	_ =	sdelay $0x1  }
0x8a: {  	s1 =	srdreg.scid  }
0x8b: {  	s0 =	sand.u32 $0x1, s1  }
0x8c: {  	s16 =	sshll.u32 s0, $0xA;
	s2 =	sadd.s32 s3, s2  }
0x8d: {  	s2 =	sadd.s32 s2, s16  }
0x8e: {  	[smem:$0x3FBC] =	sst s2  }
0x8f: {  	_ = 	snop  }
0x90: {  	(tm) =	ssettm $0x1  }
0x91: {  	s17 =	sld [smem:$0x3FFB];
	_ =	sdelay $0x3  }
0x92: {  	_ =	strace s17  }
0x93: {  	s2 =	sld [smem:$0x3FFC];
	_ =	sdelay $0x3  }
0x94: {  	_ =	strace s2  }
0x95: {  	s2 =	sld [smem:$0x3FFD];
	_ =	sdelay $0x3  }
0x96: {  	_ =	strace s2  }
0x97: {  	_ =	strace $0x8FFFFFFF  }
0x98: {  	s18 =	sld [smem:$0x3FDB];
	_ =	sdelay $0x1  }
0x99: {  	s19 =	simm.s32 $_scs_section_size  }
0x9a: {  	s4 =	simm.s32 $_size__tile_overlayer_lowered;
	s5 =	simm.s32 $_tile_overlayer_lowered  }
0x9b: {  	s22 =	simm.s32 $0x1BFF;
	s21 =	sshll.u32 s5, $0x1;
	s2 =	sadd.s32 s19, s18  }
0x9c: {  	s6 =	simm.s32 $0x0;
	s20 =	sshll.u32 s4, $0x1;
	s4 =	sadd.s32 s21, s2  }
0x9d: {  	[timem:s6], [sflag:s22] =	dma.local [hbm:s4], s20  }
0x9e: {  	_ =	swait.ge [sflag:s22], s20  }
0x9f: {  	s3 =	ssub.s32 $0x0, s20;
	[sflag:s22] =	ssyncset.done $0x0  }
0xa0: {  	[sflag:s22] =	ssyncadd.s32 s3;
	_ =	sdelay $0x1  }
0xa1: {  	s23 =	simm.s32 $0x1B8B  }
0xa2: {  	_ =	swait.ge [sflag:s23], $0x1  }
0xa3: {  	[sflag:s23] =	ssyncset.done $0x0  }
0xa4: {  	s25 =	simm.s32 $0x1B8E;
	s24 =	sld [smem:$0x3FFE];
	[sflag:s23] =	ssyncadd.s32 $0xFFFFFFFF  }
0xa5: {  	s26 =	simm.s32 $execute0_lowered;
	[smem:$0x3FD2] =	sst s25  }
0xa6: {  	s4 =	sshll.u32 s26, $0x1;
	_ =	strace $0x80000049;
	[dreg:$0x1] =	wrdreg $0xFFFFFFFF  }
0xa7: {  	s28 =	simm.s32 $_size_execute0_lowered;
	s2 =	sadd.s32 s2, s4;
	[dreg:$0x0] =	wrdreg $0x0  }
0xa8: {  	s4 =	sshll.u32 s28, $0x1;
	[dreg:$0x2] =	wrdreg s2  }
0xa9: {  	[dreg:$0x3] =	wrdreg s4  }
0xaa: {  	[dreg:$0x4] =	wrdreg $0xC0  }
0xab: {  	_ =	task [dreg:s6], $0x5FFFF  }
0xac: {  	[dreg:$0x1] =	wrdreg $0xFFFFFFFF  }
0xad: {  	[dreg:$0x0] =	wrdreg $0x60  }
0xae: {  	[dreg:$0x2] =	wrdreg s24  }
0xaf: {  	[dreg:$0x3] =	wrdreg $0x120000  }
0xb0: {  	[dreg:$0x4] =	wrdreg $0x9  }
0xb1: {  	_ =	task.clear_ibuf [dreg:s6], $0x5FFFF;
	_ =	strace $0x90000049  }
0xb2: {  	s29 =	simm.s32 $0x9;
	_ =	strace $0x8000004B  }
0xb3: {  	_ =	swait.ge [sflag:s29], $0x1  }
0xb4: {  	[sflag:s29] =	ssyncadd.s32 $0xFFFFFFFF  }
0xb5: {  	_ =	strace $0x9000004B  }
0xb6: {  	_ =	sfence  }
0xb7: {  	s30 =	sld [smem:$0x0];
	_ =	sdelay $0x2  }
0xb8: {  	s31 =	sshll.u32 s1, $0xD;
	s1 =	sshrl.u32 s1, $0x2  }
0xb9: {  	s3 =	sand.u32 $0x4000, s31;
	s1 =	sadd.s32 s1, s30  }
0xba: {  	s0 =	sor.u32 s3, s0;
	s1 =	sshll.u32 s1, $0x11  }
0xbb: {  	s0 =	sor.u32 s1, s0  }
0xbc: {  	s0 =	sadd.s32 $0x8F2B, s0  }
0xbd: {  	[sflag:s0] =	ssyncadd.remote.s32 $0x1  }
0xbe: {  	_ =	sfence.sel $0xFFFF  }
0xbf: {  	[dreg:$0x0] =	wrdreg $0xFFFFFFFF;
	(pc) =	sbr.abs _section_cstart, $3  }
0xc0: {  	[dreg:$0x1] =	wrdreg $0xFFFFFFFF  }
0xc1: {  	_ =	task.clear_ibuf [dreg:s6], $0x2FFFF;
	_ =	strace $0x9FFFFFFF  }
0xc2: {  	(tm) =	ssettm $0x7FFFFFFF  }
0xc3: {  	_ =	shalt  }
tec
execute0_lowered:
.L_overlay_start_1:
0x0: {  	(tag) =	ssettag $0x1  }
0x1: {  	s0 =	rddreg [dreg:$0x0]  }
0x2: {  	s2 =	rddreg [dreg:$0x1]  }
0x3: {  	s1 =	simm.s32 $0x0;
	s8 =	stileid.u32;
	s3 =	srdreg.scid  }
0x4: {  	[smem:$0x7FF] =	sst s1;
	s23 =	smul.u32 $0xE00, s8  }
0x5: {  	s11 =	sadd.s32 $0x71E00, s0;
	s3 =	sand.u32 $0x1, s3;
	s4 =	smul.u32 $0x38000, s8  }
0x6: {  	s18 =	sadd.s32 $0x55E00, s0;
	s9 =	smul.u32 $0xE000, s8;
	_ =	strace $0x8000004A  }
0x7: {  	s5 =	ssub.s32 $0x2, s3;
	s6 =	smul.u32 $0xE0000, s3;
	p0 =	seq.s32 s3, $0x0  }
0x8: {  	s15 =	smov.u32 s18;
	s14 =	smov.u32 s11;
	s1 =	sadd.s32 s23, s0  }
0x9: {  	s7 =	sshrl.u32 s5, $0x1;
	s0 =	sadd.s32 $0x8DE00, s0;
	s25 =	sshrl.u32 s4, $0x2  }
0xa: {  	s12 =	sadd.s32 $0x4000, s9;
	s13 =	sadd.s32 s9, s2;
	s20 =	sadd.s32 $0x6000, s9  }
0xb: {  	s18 =	smov.u32 @p0 s11;
	s5 =	ssub.s32 s5, s7;
	s24 =	sadd.s32 $0x1E00, s1  }
0xc: {  	s1 =	sadd.s32 $0xFE00, s1;
	s26 =	sadd.s32 s6, s9;
	s8 =	sadd.s32 s25, s2  }
0xd: {  	s17 =	sadd.s32 s6, s12;
	s21 =	sadd.s32 s6, s20;
	[dreg:$0x3] =	wrdreg s24  }
0xe: {  	s22 =	sadd.s32 s20, s2;
	[dreg:$0x4] =	wrdreg s1;
	s3 =	sshrl.u32 s26, $0x3  }
0xf: {  	s4 =	smax.u32 s5, $0x1;
	s5 =	sadd.s32 $0x2000, s9;
	s7 =	sadd.s32 $0x2000, s8  }
0x10: {  	s19 =	sshrl.u32 s17, $0x3;
	s17 =	sadd.s32 $0xA000, s9;
	s22 =	sshrl.u32 s22, $0x3  }
0x11: {  	s28 =	sadd.s32 $0x6000, s8;
	s29 =	sadd.s32 $0x8000, s8;
	s30 =	sadd.s32 $0xA000, s8  }
0x12: {  	s31 =	sadd.s32 $0xC000, s8;
	s1 =	sadd.s32 s0, s3;
	[dreg:$0x6] =	wrdreg s4  }
0x13: {  	[dreg:$0x7] =	wrdreg s7;
	s10 =	sadd.s32 s6, s5;
	s4 =	sadd.s32 s12, s2  }
0x14: {  	s24 =	sadd.s32 s6, s17;
	s25 =	sadd.s32 s17, s2;
	[dreg:$0x5] =	wrdreg s1  }
0x15: {  	s3 =	sshrl.u32 s10, $0x3;
	s1 =	sadd.s32 s5, s2;
	s10 =	sadd.s32 $0x8000, s9  }
0x16: {  	s9 =	sadd.s32 $0xC000, s9;
	s5 =	simm.s32 $0x0;
	s3 =	sadd.s32 s0, s3  }
0x17: {  	s23 =	sadd.s32 s6, s10;
	s6 =	sadd.s32 s6, s9;
	s10 =	sadd.s32 s10, s2  }
0x18: {  	s26 =	sadd.s32 s9, s2;
	s20 =	sshrl.u32 s1, $0x3;
	s1 =	simm.s32 $0xE000  }
0x19: {  	[dreg:$0x8] =	wrdreg s3;
	s3 =	sadd.s32 s0, s19;
	s7 =	sshrl.u32 s23, $0x3  }
0x1a: {  	s6 =	sshrl.u32 s6, $0x3;
	s19 =	sshrl.u32 s13, $0x3;
	s23 =	sshrl.u32 s10, $0x3  }
0x1b: {  	[dreg:$0x9] =	wrdreg s3;
	s3 =	sshrl.u32 s21, $0x3;
	s7 =	sadd.s32 s0, s7  }
0x1c: {  	s17 =	sadd.s32 s0, s6;
	s21 =	sshrl.u32 s4, $0x3;
	s4 =	simm.s32 $0x10000  }
0x1d: {  	s6 =	simm.s32 $0x1;
	s3 =	sadd.s32 s0, s3;
	[dreg:$0xb] =	wrdreg s7  }
0x1e: {  	s7 =	sshrl.u32 s24, $0x3;
	s24 =	sshrl.u32 s25, $0x3;
	s25 =	sshrl.u32 s26, $0x3  }
0x1f: {  	s26 =	sadd.s32 $0x4000, s8;
	[dreg:$0xa] =	wrdreg s3;
	s16 =	sadd.s32 s0, s7  }
0x20: {  	v0 =	vimm.f32 $0.0e+00;
	s0 =	simm.s32 $0x3;
	s3 =	simm.s32 $0x80;
	s7 =	simm.s32 $0x2  }
.LBB2_1:
0x21: {  	s9 =	simm.s32 $0x0;
	s10 =	rddreg [dreg:$0x3]  }
0x22: {  	[tilespmem:s9], [sflag:$0x3] =	stream.linear.gather [hbm4b:s10+s9], $0x7000, $0x38;
	v63 =	vld [tilespmem:$0x0]  }
0x23: {  	_ =	swait.ge [sflag:s0], $0x7000  }
0x24: {  	[sflag:s0] =	ssyncset.done $0x0  }
0x25: {  	s11 =	simm.s32 $0x7000;
	s13 =	rddreg [dreg:$0x4];
	[sflag:s0] =	ssyncadd.s32 $0xFFFF9000  }
0x26: {  	[tilespmem:s11], [sflag:$0x3] =	stream.linear.gather [hbm4b:s13+s9], $0x7000, $0x38;
	v63 =	vld [tilespmem:$0x0]  }
0x27: {  	_ =	swait.ge [sflag:s0], $0x7000  }
0x28: {  	[sflag:s0] =	ssyncset.done $0x0  }
0x29: {  	s10 =	simm.s32 $0x100;
	s9 =	simm.s32 $0x0;
	[sflag:s0] =	ssyncadd.s32 $0xFFFF9000  }
.LBB2_2:
0x2a: {  	p1 =	sne.s32 s10, $0x7F00;
	[tilespmem:s9+$0xE030] =	vst v0;
	s11 =	smov.u32 s10;
	s10 =	sadd.s32 $0x100, s10  }
.Ltmp0:
0x2b: {  	[tilespmem:s9+$0xE020] =	vst v0;
	(pc) =	sbr.rel @p1 .LBB2_2-.Ltmp0, $3  }
0x2c: {  	[tilespmem:s9+$0xE000] =	vst v0  }
0x2d: {  	[tilespmem:s9+$0xE010] =	vst v0;
	_ =	sdelay $0x1  }
0x2e: {  	s9 =	sshra.s32 s11, $0x2  }
0x2f: {  	[tilespmem:s9+$0xE030] =	vst v0  }
0x30: {  	[tilespmem:s9+$0xE020] =	vst v0  }
0x31: {  	[tilespmem:s9+$0xE000] =	vst v0  }
0x32: {  	[tilespmem:s9+$0xE010] =	vst v0  }
0x33: {  	[spmem:s8] =	stream.linear.scatter [tilespmem:s1], [sflag:$0x3], $0x2000, $0x38;
	v63 =	vld [tilespmem:$0x0]  }
0x34: {  	_ =	swait.ge [sflag:s0], $0x2000  }
0x35: {  	[sflag:s0] =	ssyncset.done $0x0  }
0x36: {  	s12 =	rddreg [dreg:$0x7];
	[sflag:s0] =	ssyncadd.s32 $0xFFFFE000  }
0x37: {  	[spmem:s12] =	stream.linear.scatter [tilespmem:s1], [sflag:$0x3], $0x2000, $0x38;
	v63 =	vld [tilespmem:$0x0]  }
0x38: {  	_ =	swait.ge [sflag:s0], $0x2000  }
0x39: {  	[sflag:s0] =	ssyncset.done $0x0  }
0x3a: {  	[sflag:s0] =	ssyncadd.s32 $0xFFFFE000  }
0x3b: {  	[spmem:s26] =	stream.linear.scatter [tilespmem:s1], [sflag:$0x3], $0x2000, $0x38;
	v63 =	vld [tilespmem:$0x0]  }
0x3c: {  	_ =	swait.ge [sflag:s0], $0x2000  }
0x3d: {  	[sflag:s0] =	ssyncset.done $0x0  }
0x3e: {  	[sflag:s0] =	ssyncadd.s32 $0xFFFFE000  }
0x3f: {  	[spmem:s28] =	stream.linear.scatter [tilespmem:s1], [sflag:$0x3], $0x2000, $0x38;
	v63 =	vld [tilespmem:$0x0]  }
0x40: {  	_ =	swait.ge [sflag:s0], $0x2000  }
0x41: {  	[sflag:s0] =	ssyncset.done $0x0  }
0x42: {  	[sflag:s0] =	ssyncadd.s32 $0xFFFFE000  }
0x43: {  	[spmem:s29] =	stream.linear.scatter [tilespmem:s1], [sflag:$0x3], $0x2000, $0x38;
	v63 =	vld [tilespmem:$0x0]  }
0x44: {  	_ =	swait.ge [sflag:s0], $0x2000  }
0x45: {  	[sflag:s0] =	ssyncset.done $0x0  }
0x46: {  	[sflag:s0] =	ssyncadd.s32 $0xFFFFE000  }
0x47: {  	[spmem:s30] =	stream.linear.scatter [tilespmem:s1], [sflag:$0x3], $0x2000, $0x38;
	v63 =	vld [tilespmem:$0x0]  }
0x48: {  	_ =	swait.ge [sflag:s0], $0x2000  }
0x49: {  	[sflag:s0] =	ssyncset.done $0x0  }
0x4a: {  	[sflag:s0] =	ssyncadd.s32 $0xFFFFE000  }
0x4b: {  	[spmem:s31] =	stream.linear.scatter [tilespmem:s1], [sflag:$0x3], $0x2000, $0x38;
	v63 =	vld [tilespmem:$0x0]  }
0x4c: {  	_ =	swait.ge [sflag:s0], $0x2000  }
0x4d: {  	[sflag:s0] =	ssyncset.done $0x0  }
0x4e: {  	[sflag:s0] =	ssyncadd.s32 $0xFFFFE000  }
0x4f: {  	s13 =	simm.s32 $0x0;
	[bflag:$0x0] =	sbarrier.arrive $0xFFFF  }
0x50: {  	[tilespmem:s1], [sflag:$0x1] =	stream.indirect.gather [hbm4b:s18+s3], $0x40, s13, s3, $0xb8;
	v63 =	vld [tilespmem:$0x0]  }
0x51: {  	s10 =	simm.s32 $0x80  }
0x52: {  	[tilespmem:s4], [sflag:$0x2] =	stream.indirect.gather [hbm4b:s18+s3], $0x40, s10, s3, $0xb8;
	v63 =	vld [tilespmem:$0x0]  }
0x53: {  	_ =	swait.ge [sflag:s6], $0x2000  }
0x54: {  	[sflag:s6] =	ssyncset.done $0x0  }
0x55: {  	s11 =	simm.s32 $0x7000;
	[sflag:s6] =	ssyncadd.s32 $0xFFFFE000  }
0x56: {  	[spmem:s2] =	stream.indirect.scatter.add.f32 [tilespmem:s1], [sflag:$0x3], $0x40, s11, s3, $0xb8;
	v63 =	vld [tilespmem:$0x0]  }
0x57: {  	_ =	swait.ge [sflag:s0], $0x2000  }
0x58: {  	[sflag:s0] =	ssyncset.done $0x0  }
0x59: {  	s12 =	simm.s32 $0x100;
	[sflag:s0] =	ssyncadd.s32 $0xFFFFE000  }
0x5a: {  	[tilespmem:s1], [sflag:$0x1] =	stream.indirect.gather [hbm4b:s18+s3], $0x40, s12, s3, $0xb8;
	v63 =	vld [tilespmem:$0x0]  }
0x5b: {  	_ =	swait.ge [sflag:s7], $0x2000  }
0x5c: {  	[sflag:s7] =	ssyncset.done $0x0  }
0x5d: {  	s13 =	simm.s32 $0x7080;
	[sflag:s7] =	ssyncadd.s32 $0xFFFFE000  }
0x5e: {  	[spmem:s2] =	stream.indirect.scatter.add.f32 [tilespmem:s4], [sflag:$0x3], $0x40, s13, s3, $0xb8;
	v63 =	vld [tilespmem:$0x0]  }
0x5f: {  	_ =	swait.ge [sflag:s0], $0x2000  }
0x60: {  	s9 =	simm.s32 $0x100;
	s10 =	simm.s32 $0x800;
	[sflag:s0] =	ssyncset.done $0x0  }
.LBB2_4:
0x61: {  	s11 =	sadd.s32 $0x80, s9  }
0x62: {  	[sflag:s0] =	ssyncadd.s32 $0xFFFFE000;
	s12 =	smov.u32 s10;
	s13 =	sadd.s32 $0x400, s10  }
0x63: {  	[tilespmem:s4], [sflag:$0x2] =	stream.indirect.gather [hbm4b:s18+s3], $0x40, s11, s3, $0xb8;
	v63 =	vld [tilespmem:$0x0]  }
0x64: {  	p1 =	sne.s32 s10, $0x1B800;
	_ =	swait.ge [sflag:s6], $0x2000  }
0x65: {  	[sflag:s6] =	ssyncset.done $0x0  }
0x66: {  	s10 =	sadd.s32 $0x7000, s9;
	[sflag:s6] =	ssyncadd.s32 $0xFFFFE000  }
0x67: {  	[spmem:s2] =	stream.indirect.scatter.add.f32 [tilespmem:s1], [sflag:$0x3], $0x40, s10, s3, $0xb8;
	v63 =	vld [tilespmem:$0x0]  }
0x68: {  	_ =	swait.ge [sflag:s0], $0x2000  }
0x69: {  	[sflag:s0] =	ssyncset.done $0x0  }
0x6a: {  	s10 =	sadd.s32 $0x100, s9;
	[sflag:s0] =	ssyncadd.s32 $0xFFFFE000  }
0x6b: {  	[tilespmem:s1], [sflag:$0x1] =	stream.indirect.gather [hbm4b:s18+s3], $0x40, s10, s3, $0xb8;
	v63 =	vld [tilespmem:$0x0]  }
0x6c: {  	_ =	swait.ge [sflag:s7], $0x2000  }
.Ltmp1:
0x6d: {  	[sflag:s7] =	ssyncset.done $0x0;
	(pc) =	sbr.rel @p1 .LBB2_4-.Ltmp1, $4  }
0x6e: {  	s9 =	sadd.s32 $0x7080, s9;
	[sflag:s7] =	ssyncadd.s32 $0xFFFFE000  }
0x6f: {  	[spmem:s2] =	stream.indirect.scatter.add.f32 [tilespmem:s4], [sflag:$0x3], $0x40, s9, s3, $0xb8;
	v63 =	vld [tilespmem:$0x0]  }
0x70: {  	_ =	swait.ge [sflag:s0], $0x2000  }
0x71: {  	s10 =	smov.u32 s13;
	s9 =	sshra.s32 s12, $0x2;
	[sflag:s0] =	ssyncset.done $0x0  }
0x72: {  	s10 =	sadd.s32 $0x80, s9;
	[sflag:s0] =	ssyncadd.s32 $0xFFFFE000  }
0x73: {  	[tilespmem:s4], [sflag:$0x2] =	stream.indirect.gather [hbm4b:s18+s3], $0x40, s10, s3, $0xb8;
	v63 =	vld [tilespmem:$0x0]  }
0x74: {  	_ =	swait.ge [sflag:s6], $0x2000  }
0x75: {  	[sflag:s6] =	ssyncset.done $0x0  }
0x76: {  	s12 =	sadd.s32 $0x7000, s9;
	[sflag:s6] =	ssyncadd.s32 $0xFFFFE000  }
0x77: {  	[spmem:s2] =	stream.indirect.scatter.add.f32 [tilespmem:s1], [sflag:$0x3], $0x40, s12, s3, $0xb8;
	v63 =	vld [tilespmem:$0x0]  }
0x78: {  	_ =	swait.ge [sflag:s0], $0x2000  }
0x79: {  	[sflag:s0] =	ssyncset.done $0x0  }
0x7a: {  	s13 =	sadd.s32 $0x100, s9;
	[sflag:s0] =	ssyncadd.s32 $0xFFFFE000  }
0x7b: {  	[tilespmem:s1], [sflag:$0x1] =	stream.indirect.gather [hbm4b:s18+s3], $0x40, s13, s3, $0xb8;
	v63 =	vld [tilespmem:$0x0]  }
0x7c: {  	_ =	swait.ge [sflag:s7], $0x2000  }
0x7d: {  	[sflag:s7] =	ssyncset.done $0x0  }
0x7e: {  	s11 =	sadd.s32 $0x7080, s9;
	[sflag:s7] =	ssyncadd.s32 $0xFFFFE000  }
0x7f: {  	[spmem:s2] =	stream.indirect.scatter.add.f32 [tilespmem:s4], [sflag:$0x3], $0x40, s11, s3, $0xb8;
	v63 =	vld [tilespmem:$0x0]  }
0x80: {  	_ =	swait.ge [sflag:s0], $0x2000  }
0x81: {  	s9 =	simm.s32 @p0 $0x80;
	[sflag:s0] =	ssyncset.done $0x0  }
0x82: {  	s10 =	simm.s32 @p0 $0x6F80;
	s11 =	simm.s32 @p0 $0x10000;
	[sflag:s0] =	ssyncadd.s32 $0xFFFFE000  }
0x83: {  	[tilespmem:s11], [sflag:$0x2] =	stream.indirect.gather @p0 [hbm4b:s14+s9], $0x40, s10, s9, $0xb8;
	v63 =	vld [tilespmem:$0x0]  }
0x84: {  	s9 =	simm.s32 @!p0 $0x80;
	s10 =	simm.s32 @!p0 $0x6F80;
	s11 =	simm.s32 @!p0 $0x10000  }
0x85: {  	[tilespmem:s11], [sflag:$0x2] =	stream.indirect.gather @!p0 [hbm4b:s15+s9], $0x40, s10, s9, $0xb8;
	v63 =	vld [tilespmem:$0x0]  }
0x86: {  	_ =	swait.ge [sflag:s6], $0x2000  }
0x87: {  	[sflag:s6] =	ssyncset.done $0x0  }
0x88: {  	s12 =	simm.s32 $0xDF00;
	[sflag:s6] =	ssyncadd.s32 $0xFFFFE000  }
0x89: {  	[spmem:s2] =	stream.indirect.scatter.add.f32 [tilespmem:s1], [sflag:$0x3], $0x40, s12, s3, $0xb8;
	v63 =	vld [tilespmem:$0x0]  }
0x8a: {  	_ =	swait.ge [sflag:s0], $0x2000  }
0x8b: {  	[sflag:s0] =	ssyncset.done $0x0  }
0x8c: {  	[sflag:s0] =	ssyncadd.s32 $0xFFFFE000  }
0x8d: {  	_ =	swait.ge [sflag:s7], $0x2000  }
0x8e: {  	[sflag:s7] =	ssyncset.done $0x0  }
0x8f: {  	s13 =	simm.s32 $0xDF80;
	[sflag:s7] =	ssyncadd.s32 $0xFFFFE000  }
0x90: {  	[spmem:s2] =	stream.indirect.scatter.add.f32 [tilespmem:s4], [sflag:$0x3], $0x40, s13, s3, $0xb8;
	v63 =	vld [tilespmem:$0x0]  }
0x91: {  	_ =	swait.ge [sflag:s0], $0x2000  }
0x92: {  	[sflag:s0] =	ssyncset.done $0x0  }
0x93: {  	s10 =	stileid.u32;
	[sflag:s0] =	ssyncadd.s32 $0xFFFFE000  }
0x94: {  	s9 =	sshll.u32 s10, $0x6;
	[bflag:$0x0] =	sbarrier.arrive $0xFFFF  }
0x95: {  	s9 =	sor.u32 $0x1C03, s9;
	s11 =	rddreg [dreg:$0x5]  }
0x96: {  	[hbm:s11], [sflag:s9] =	dma.local [spmem:s19], $0x400  }
0x97: {  	_ =	swait.ge [sflag:s0], $0x400  }
0x98: {  	[sflag:s0] =	ssyncset.done $0x0  }
0x99: {  	s12 =	rddreg [dreg:$0x8];
	[sflag:s0] =	ssyncadd.s32 $0xFFFFFC00  }
0x9a: {  	[hbm:s12], [sflag:s9] =	dma.local [spmem:s20], $0x400  }
0x9b: {  	_ =	swait.ge [sflag:s0], $0x400  }
0x9c: {  	[sflag:s0] =	ssyncset.done $0x0  }
0x9d: {  	s13 =	rddreg [dreg:$0x9];
	[sflag:s0] =	ssyncadd.s32 $0xFFFFFC00  }
0x9e: {  	[hbm:s13], [sflag:s9] =	dma.local [spmem:s21], $0x400  }
0x9f: {  	_ =	swait.ge [sflag:s0], $0x400  }
0xa0: {  	[sflag:s0] =	ssyncset.done $0x0  }
0xa1: {  	s11 =	rddreg [dreg:$0xa];
	[sflag:s0] =	ssyncadd.s32 $0xFFFFFC00  }
0xa2: {  	[hbm:s11], [sflag:s9] =	dma.local [spmem:s22], $0x400  }
0xa3: {  	_ =	swait.ge [sflag:s0], $0x400  }
0xa4: {  	[sflag:s0] =	ssyncset.done $0x0  }
0xa5: {  	s12 =	rddreg [dreg:$0xb];
	[sflag:s0] =	ssyncadd.s32 $0xFFFFFC00  }
0xa6: {  	[hbm:s12], [sflag:s9] =	dma.local [spmem:s23], $0x400  }
0xa7: {  	_ =	swait.ge [sflag:s0], $0x400  }
0xa8: {  	[sflag:s0] =	ssyncset.done $0x0  }
0xa9: {  	[sflag:s0] =	ssyncadd.s32 $0xFFFFFC00  }
0xaa: {  	[hbm:s16], [sflag:s9] =	dma.local [spmem:s24], $0x400  }
0xab: {  	_ =	swait.ge [sflag:s0], $0x400  }
0xac: {  	[sflag:s0] =	ssyncset.done $0x0  }
0xad: {  	[sflag:s0] =	ssyncadd.s32 $0xFFFFFC00  }
0xae: {  	[hbm:s17], [sflag:s9] =	dma.local [spmem:s25], $0x400  }
0xaf: {  	_ =	swait.ge [sflag:s0], $0x400  }
0xb0: {  	s5 =	sadd.s32 $0x1, s5;
	s13 =	rddreg [dreg:$0x6]  }
0xb1: {  	p1 =	sne.s32 s5, s13  }
.Ltmp2:
0xb2: {  	_ = 	snop;
	(pc) =	sbr.rel @p1 .LBB2_1-.Ltmp2, $3  }
0xb3: {  	_ =	sdelay $0x1  }
0xb4: {  	[sflag:s0] =	ssyncset.done $0x0  }
0xb5: {  	[sflag:s0] =	ssyncadd.s32 $0xFFFFFC00  }
0xb6: {  	_ =	sfence.sel $0x180000  }
0xb7: {  	[bflag:$0x0] =	sbarrier.arrive $0xFFFF  }
0xb8: {  	_ =	strace $0x9000004A  }
0xb9: {  	s0 =	stileid.u32;
	[bflag:$0x2] =	sbarrier.arrive $0xFFFF  }
0xba: {  	p0 =	sne.s32 s0, $0x0;
	s0 =	rddreg [dreg:$0x2]  }
0xbb: {  	s0 =	sadd.s32 @!p0 $0x100000, s0  }
0xbc: {  	[sflag:s0] =	ssyncadd.tile.s32 @!p0 $0x1;
	_ =	shalt  }
.Lfunc_end2:
_tile_overlayer_lowered:
.L_overlay_start_2:
0xbd: {  	(tag) =	ssettag $0x2  }
0xbe: {  	s0 =	rddreg [dreg:$0x0];
	s2 =	stileid.u32  }
0xbf: {  	s1 =	rddreg [dreg:$0x1];
	p0 =	sne.s32 s2, $0x0  }
0xc0: {  	s3 =	rddreg [dreg:$0x2];
	[bflag:$0x3] =	sbarrier.arrive $0xFFFF;
	s2 =	simm.s32 @!p0 $0x1C03  }
0xc1: {  	[timem:s3], [sflag:s2] =	dma.local @!p0 [hbm:s0], s1  }
0xc2: {  	s0 =	simm.s32 @!p0 $0x3  }
0xc3: {  	_ =	swait.ge @!p0 [sflag:s0], s1  }
0xc4: {  	s1 =	ssub.s32 @!p0 $0x0, s1;
	[sflag:s0] =	ssyncset.done @!p0 $0x0  }
0xc5: {  	[sflag:s0] =	ssyncadd.s32 @!p0 s1  }
0xc6: {  	[bflag:$0x3] =	sbarrier.arrive $0xFFFF  }
0xc7: {  	_ =	shalt  }

// kernel: kernel.7.cloned.1.call-start
scs
__scs_entry_jumppad:
0x0: {  	(pc) =	sbr.rel $0x88, $3  }
0x1: {  	(tag) =	ssettag $0x0;
	lr =	simm.s32 $0x1  }
0x2: {  	[smem:$0x3F95] =	sst lr;
	_ =	strace $0xD0000000  }
0x3: {  	_ = 	snop  }
0x4: {  	_ = 	snop  }
0x5: {  	_ = 	snop  }
0x6: {  	_ = 	snop  }
0x7: {  	_ = 	snop  }
__scs_overlays_trampoline_lowered:
0x8: {  	[smem:$0x3FA4] =	sst s0  }
0x9: {  	[smem:$0x3FA5] =	sst s1  }
0xa: {  	[smem:$0x3FA6] =	sst s2  }
0xb: {  	[smem:$0x3FA7] =	sst s3  }
0xc: {  	[smem:$0x3FA8] =	sst s4  }
0xd: {  	[smem:$0x3FA9] =	sst s5  }
0xe: {  	[smem:$0x3FAA] =	sst s6  }
0xf: {  	[smem:$0x3FAB] =	sst s7  }
0x10: {  	[smem:$0x3FAC] =	sst s8  }
0x11: {  	[smem:$0x3FAD] =	sst s9;
	s0 =	simm.s32 @!p0 $0x0  }
0x12: {  	s1 =	sld [smem:$0x3F93];
	s0 =	simm.s32 @p0 $0x1  }
0x13: {  	[smem:$0x3FAE] =	sst s0;
	s0 =	simm.s32 @!p1 $0x0  }
0x14: {  	s2 =	sld [smem:$0x3F92];
	s0 =	simm.s32 @p1 $0x1  }
0x15: {  	[smem:$0x3FAF] =	sst s0;
	s0 =	simm.s32 @!p2 $0x0  }
0x16: {  	s3 =	sld [smem:$0x3FDB];
	s0 =	simm.s32 @p2 $0x1  }
0x17: {  	s4 =	simm.s32 $0x1BF5;
	[smem:$0x3FB1] =	sst s0  }
0x18: {  	s0 =	sld [smem:$0x3F94];
	_ =	swait.ge [sflag:s4], $0x0  }
0x19: {  	s7 =	sld [smem:$0x3F95]  }
0x1a: {  	s8 =	sadd.s32 $0xFFFFE003, lr  }
0x1b: {  	s9 =	sadd.s32 $0xFFFFFEF7, lr;
	s5 =	simm.s32 $0xFFFFFFFF;
	p2 =	slt.u32 s8, $0xFFFFF086  }
0x1c: {  	p1 =	slt.u32 s9, $0xF7A;
	s5 =	simm.s32 @!p2 $0x0  }
0x1d: {  	s5 =	simm.s32 @p1 $0x1;
	p0 =	seq.s32 s7, s2  }
0x1e: {  	s7 =	smul.u32 @!p0 $0xF7A, s2;
	p2 =	seq.s32 @!p0 s5, $0x0  }
0x1f: {  	s9 =	smul.u32 $0xF7A, s1;
	s8 =	simm.s32 @!p0 $0x1BF5;
	p2 =	por !p2, p0  }
0x20: {  	[sflag:s8] =	ssyncset.s32 @!p0 $0xFFFFF086;
	s6 =	sadd.s32 @!p0 s3, s7;
	s7 =	simm.s32 @!p0 $0x108  }
0x21: {  	s3 =	sadd.s32 s3, s9;
	s6 =	sadd.s32 @!p0 $0x88, s6;
	s7 =	simm.s32 @p2 $0x1082  }
0x22: {  	[simem:s7], [sflag:s8] =	dma.local @!p0 [hbm:s6], $0xF7A  }
0x23: {  	s9 =	sor.u32 $0xD0000000, s2;
	s6 =	simm.s32 $0x108;
	_ =	swait.ge @!p0 [sflag:s8], $0x0  }
0x24: {  	s3 =	sadd.s32 $0x88, s3;
	s6 =	simm.s32 @!p1 $0x1082;
	[sflag:s4] =	ssyncset.s32 $0xFFFFF086  }
0x25: {  	[simem:s6], [sflag:s4] =	dma.local [hbm:s3], $0xF7A  }
0x26: {  	[smem:$0x3F95] =	sst s1;
	(tag) =	ssettag s2;
	_ =	strace s9  }
0x27: {  	s1 =	sld [smem:$0x3FA5]  }
0x28: {  	s2 =	sld [smem:$0x3FA6]  }
0x29: {  	s4 =	sld [smem:$0x3FA8]  }
0x2a: {  	p0 =	seq.s32 s5, $0x0;
	s5 =	sld [smem:$0x3FA9]  }
0x2b: {  	s6 =	sld [smem:$0x3FAA]  }
0x2c: {  	s7 =	sld [smem:$0x3FAB]  }
0x2d: {  	s3 =	simm.s32 $0x108;
	s8 =	sld [smem:$0x3FAC]  }
0x2e: {  	s3 =	simm.s32 @!p0 $0x1082;
	s9 =	sld [smem:$0x3FAD]  }
0x2f: {  	lr =	sadd.s32 s0, s3;
	s0 =	sld [smem:$0x3FA4]  }
0x30: {  	s3 =	sld [smem:$0x3FA7]  }
0x31: {  	[smem:$0x3FB0] =	sst s10  }
0x32: {  	s10 =	sld [smem:$0x3FAE];
	_ =	sdelay $0x3  }
0x33: {  	p0 =	seq.s32 s10, $0x1;
	s10 =	sld [smem:$0x3FB0];
	_ =	sdelay $0x3  }
0x34: {  	[smem:$0x3FB0] =	sst s10  }
0x35: {  	s10 =	sld [smem:$0x3FAF];
	_ =	sdelay $0x3  }
0x36: {  	p1 =	seq.s32 s10, $0x1;
	s10 =	sld [smem:$0x3FB0];
	_ =	sdelay $0x3  }
0x37: {  	[smem:$0x3FB0] =	sst s10  }
0x38: {  	s10 =	sld [smem:$0x3FB1]  }
0x39: {  	_ = 	snop;
	(pc) =	sbr.ind lr, $3  }
0x3a: {  	_ = 	snop  }
0x3b: {  	_ = 	snop  }
0x3c: {  	p2 =	seq.s32 s10, $0x1;
	s10 =	sld [smem:$0x3FB0]  }
0x3d: {  	_ =	shalt  }
0x3e: {  	_ =	shalt  }
0x3f: {  	_ =	shalt  }
0x40: {  	_ =	shalt  }
0x41: {  	_ =	shalt  }
0x42: {  	_ =	shalt  }
0x43: {  	_ =	shalt  }
0x44: {  	_ =	shalt  }
0x45: {  	_ =	shalt  }
0x46: {  	_ =	shalt  }
0x47: {  	_ =	shalt  }
0x48: {  	_ =	shalt  }
0x49: {  	_ =	shalt  }
0x4a: {  	_ =	shalt  }
0x4b: {  	_ =	shalt  }
0x4c: {  	_ =	shalt  }
0x4d: {  	_ =	shalt  }
0x4e: {  	_ =	shalt  }
0x4f: {  	_ =	shalt  }
0x50: {  	_ =	shalt  }
0x51: {  	_ =	shalt  }
0x52: {  	_ =	shalt  }
0x53: {  	_ =	shalt  }
0x54: {  	_ =	shalt  }
0x55: {  	_ =	shalt  }
0x56: {  	_ =	shalt  }
0x57: {  	_ =	shalt  }
0x58: {  	_ =	shalt  }
0x59: {  	_ =	shalt  }
0x5a: {  	_ =	shalt  }
0x5b: {  	_ =	shalt  }
0x5c: {  	_ =	shalt  }
0x5d: {  	_ =	shalt  }
0x5e: {  	_ =	shalt  }
0x5f: {  	_ =	shalt  }
0x60: {  	_ =	shalt  }
0x61: {  	_ =	shalt  }
0x62: {  	_ =	shalt  }
0x63: {  	_ =	shalt  }
0x64: {  	_ =	shalt  }
0x65: {  	_ =	shalt  }
0x66: {  	_ =	shalt  }
0x67: {  	_ =	shalt  }
0x68: {  	_ =	shalt  }
0x69: {  	_ =	shalt  }
0x6a: {  	_ =	shalt  }
0x6b: {  	_ =	shalt  }
0x6c: {  	_ =	shalt  }
0x6d: {  	_ =	shalt  }
0x6e: {  	_ =	shalt  }
0x6f: {  	_ =	shalt  }
0x70: {  	_ =	shalt  }
0x71: {  	_ =	shalt  }
0x72: {  	_ =	shalt  }
0x73: {  	_ =	shalt  }
0x74: {  	_ =	shalt  }
0x75: {  	_ =	shalt  }
0x76: {  	_ =	shalt  }
0x77: {  	_ =	shalt  }
0x78: {  	_ =	shalt  }
0x79: {  	_ =	shalt  }
0x7a: {  	_ =	shalt  }
0x7b: {  	_ =	shalt  }
0x7c: {  	_ =	shalt  }
0x7d: {  	_ =	shalt  }
0x7e: {  	_ =	shalt  }
0x7f: {  	_ =	shalt  }
0x80: {  	_ =	shalt  }
0x81: {  	_ =	shalt  }
0x82: {  	_ =	shalt  }
0x83: {  	_ =	shalt  }
0x84: {  	_ =	shalt  }
0x85: {  	_ =	shalt  }
0x86: {  	_ =	shalt  }
0x87: {  	_ =	shalt  }
.Lfunc_end0:
.L_simem_size_0:
called_computation_lowered:
.L_overlay_start_0:
0x88: {  	s2 =	sld [smem:$0x3FD9]  }
0x89: {  	s3 =	sld [smem:$0x3FFE];
	_ =	sdelay $0x1  }
0x8a: {  	s1 =	srdreg.scid  }
0x8b: {  	s0 =	sand.u32 $0x1, s1  }
0x8c: {  	s16 =	sshll.u32 s0, $0xA;
	s2 =	sadd.s32 s3, s2  }
0x8d: {  	s2 =	sadd.s32 s2, s16  }
0x8e: {  	[smem:$0x3FBC] =	sst s2  }
0x8f: {  	_ = 	snop  }
0x90: {  	(tm) =	ssettm $0x1  }
0x91: {  	s17 =	sld [smem:$0x3FFB];
	_ =	sdelay $0x3  }
0x92: {  	_ =	strace s17  }
0x93: {  	s2 =	sld [smem:$0x3FFC];
	_ =	sdelay $0x3  }
0x94: {  	_ =	strace s2  }
0x95: {  	s2 =	sld [smem:$0x3FFD];
	_ =	sdelay $0x3  }
0x96: {  	_ =	strace s2  }
0x97: {  	_ =	strace $0x8FFFFFFF  }
0x98: {  	s18 =	sld [smem:$0x3FDB];
	_ =	sdelay $0x1  }
0x99: {  	s19 =	simm.s32 $_scs_section_size  }
0x9a: {  	s4 =	simm.s32 $_size__tile_overlayer_lowered;
	s5 =	simm.s32 $_tile_overlayer_lowered  }
0x9b: {  	s22 =	simm.s32 $0x1BFF;
	s21 =	sshll.u32 s5, $0x1;
	s2 =	sadd.s32 s19, s18  }
0x9c: {  	s6 =	simm.s32 $0x0;
	s20 =	sshll.u32 s4, $0x1;
	s4 =	sadd.s32 s21, s2  }
0x9d: {  	[timem:s6], [sflag:s22] =	dma.local [hbm:s4], s20  }
0x9e: {  	_ =	swait.ge [sflag:s22], s20  }
0x9f: {  	s3 =	ssub.s32 $0x0, s20;
	[sflag:s22] =	ssyncset.done $0x0  }
0xa0: {  	[sflag:s22] =	ssyncadd.s32 s3;
	_ =	sdelay $0x1  }
0xa1: {  	s23 =	simm.s32 $0x1B8B  }
0xa2: {  	_ =	swait.ge [sflag:s23], $0x1  }
0xa3: {  	[sflag:s23] =	ssyncset.done $0x0  }
0xa4: {  	s25 =	simm.s32 $0x1B8E;
	s24 =	sld [smem:$0x3FFE];
	[sflag:s23] =	ssyncadd.s32 $0xFFFFFFFF  }
0xa5: {  	s26 =	simm.s32 $execute0_lowered;
	[smem:$0x3FD2] =	sst s25  }
0xa6: {  	s4 =	sshll.u32 s26, $0x1;
	_ =	strace $0x80000046;
	[dreg:$0x1] =	wrdreg $0xFFFFFFFF  }
0xa7: {  	s28 =	simm.s32 $_size_execute0_lowered;
	s2 =	sadd.s32 s2, s4;
	[dreg:$0x0] =	wrdreg $0x0  }
0xa8: {  	s4 =	sshll.u32 s28, $0x1;
	[dreg:$0x2] =	wrdreg s2  }
0xa9: {  	[dreg:$0x3] =	wrdreg s4  }
0xaa: {  	[dreg:$0x4] =	wrdreg $0xC0  }
0xab: {  	_ =	task [dreg:s6], $0x5FFFF  }
0xac: {  	[dreg:$0x1] =	wrdreg $0xFFFFFFFF  }
0xad: {  	[dreg:$0x0] =	wrdreg $0x60  }
0xae: {  	[dreg:$0x2] =	wrdreg s24  }
0xaf: {  	[dreg:$0x3] =	wrdreg $0x9  }
0xb0: {  	_ =	task.clear_ibuf [dreg:s6], $0x4FFFF;
	_ =	strace $0x90000046  }
0xb1: {  	s29 =	simm.s32 $0x9;
	_ =	strace $0x80000048  }
0xb2: {  	_ =	swait.ge [sflag:s29], $0x1  }
0xb3: {  	[sflag:s29] =	ssyncadd.s32 $0xFFFFFFFF  }
0xb4: {  	_ =	strace $0x90000048  }
0xb5: {  	_ =	sfence  }
0xb6: {  	s30 =	sld [smem:$0x0];
	_ =	sdelay $0x2  }
0xb7: {  	s31 =	sshll.u32 s1, $0xD;
	s1 =	sshrl.u32 s1, $0x2  }
0xb8: {  	s3 =	sand.u32 $0x4000, s31;
	s1 =	sadd.s32 s1, s30  }
0xb9: {  	s0 =	sor.u32 s3, s0;
	s1 =	sshll.u32 s1, $0x11  }
0xba: {  	s0 =	sor.u32 s1, s0  }
0xbb: {  	s0 =	sadd.s32 $0x8F2B, s0  }
0xbc: {  	[sflag:s0] =	ssyncadd.remote.s32 $0x1  }
0xbd: {  	_ =	sfence.sel $0xFFFF  }
0xbe: {  	[dreg:$0x0] =	wrdreg $0xFFFFFFFF;
	(pc) =	sbr.abs _section_cstart, $3  }
0xbf: {  	[dreg:$0x1] =	wrdreg $0xFFFFFFFF  }
0xc0: {  	_ =	task.clear_ibuf [dreg:s6], $0x2FFFF;
	_ =	strace $0x9FFFFFFF  }
0xc1: {  	(tm) =	ssettm $0x7FFFFFFF  }
tec
execute0_lowered:
.L_overlay_start_1:
0x0: {  	(tag) =	ssettag $0x1  }
0x1: {  	s1 =	srdreg.scid;
	s0 =	stileid.u32  }
0x2: {  	s4 =	sand.u32 $0x1, s1;
	s2 =	sshll.u32 s0, $0x1  }
0x3: {  	s3 =	rddreg [dreg:$0x0];
	s5 =	sor.u32 s4, s2  }
0x4: {  	s7 =	simm.s32 $0x3800;
	s8 =	simm.s32 $0x0;
	s5 =	smul.u32 $0x700, s5  }
0x5: {  	s1 =	rddreg [dreg:$0x1];
	s2 =	simm.s32 $0x0;
	s4 =	ssub.s32 $0x2, s4  }
0x6: {  	[smem:$0x7FF] =	sst s2;
	s6 =	sshrl.u32 s4, $0x1;
	s5 =	sadd.s32 s5, s3  }
0x7: {  	_ =	strace $0x80000047;
	s6 =	ssub.s32 s4, s6;
	s3 =	sadd.s32 $0xFE00, s5  }
0x8: {  	v0 =	vimm.f32 $0.0e+00;
	v1 =	vimm.f32 $1.000000000e+00;
	s4 =	sadd.s32 $0x1DE00, s5;
	s5 =	smax.u32 s6, $0x1;
	s6 =	simm.s32 $0x1  }
.LBB2_1:
0x9: {  	[tilespmem:s2], [sflag:$0x1] =	stream.linear.gather [hbm4b:s3+s2], $0x3800, $0x38;
	[tilespmem:$0x7000] =	vst v63  }
0xa: {  	_ =	swait.ge [sflag:s6], $0x3800  }
0xb: {  	[sflag:s6] =	ssyncset.done $0x0  }
0xc: {  	s9 =	simm.s32 $0x0;
	[sflag:s6] =	ssyncadd.s32 $0xFFFFC800  }
.LBB2_2:
0xd: {  	p0 =	sne.s32 s9, $0xDFC0  }
.Ltmp0:
0xe: {  	_ = 	snop;
	(pc) =	sbr.rel @p0 .LBB2_2-.Ltmp0, $3  }
0xf: {  	_ =	sdelay $0x1  }
0x10: {  	s10 =	sshra.s32 s9, $0x2  }
0x11: {  	s9 =	sadd.s32 $0x40, s9;
	[tilespmem:s10+$0x3800] =	vst v0  }
0x12: {  	s10 =	simm.s32 $0x0;
	s9 =	simm.s32 $0x40  }
.LBB2_4:
0x13: {  	p0 =	sne.s32 s9, $0xDFC0;
	v2 =	vld [tilespmem:s10+$0x0];
	_ =	sdelay $0x3  }
.Ltmp1:
0x14: {  	(pc) =	sbr.rel @p0 .LBB2_4-.Ltmp1, $2  }
0x15: {  	_ =	sdelay $0x2  }
0x16: {  	s10 =	sshra.s32 s9, $0x2;
	s9 =	sadd.s32 $0x40, s9;
	[tilespmem:v2+s7+$0x0] =	vst.idx.add.f32.msk $0xffff, v1  }
0x17: {  	v2 =	vld [tilespmem:s10+$0x0];
	_ =	sdelay $0x5  }
0x18: {  	s8 =	sadd.s32 $0x1, s8  }
0x19: {  	p0 =	sne.s32 s8, s5  }
.Ltmp2:
0x1a: {  	[tilespmem:v2+s7+$0x0] =	vst.idx.add.f32.msk $0xffff, v1;
	(pc) =	sbr.rel @p0 .LBB2_1-.Ltmp2, $4  }
0x1b: {  	[hbm4b:s4+s2] =	stream.linear.scatter [tilespmem:s7], [sflag:$0x1], $0x3800, $0x38;
	[tilespmem:$0x7000] =	vst v63  }
0x1c: {  	_ =	swait.ge [sflag:s6], $0x3800  }
0x1d: {  	[sflag:s6] =	ssyncset.done $0x0  }
0x1e: {  	[sflag:s6] =	ssyncadd.s32 $0xFFFFC800  }
0x1f: {  	_ =	sfence.sel $0x180000  }
0x20: {  	[bflag:$0x0] =	sbarrier.arrive $0xFFFF  }
0x21: {  	p0 =	sne.s32 s0, $0x0;
	_ =	strace $0x90000047  }
0x22: {  	s0 =	sadd.s32 @!p0 $0x100000, s1;
	[bflag:$0x2] =	sbarrier.arrive $0xFFFF  }
0x23: {  	[sflag:s0] =	ssyncadd.tile.s32 @!p0 $0x1;
	_ =	shalt  }
.Lfunc_end2:
_tile_overlayer_lowered:
.L_overlay_start_2:
0x24: {  	(tag) =	ssettag $0x2  }
0x25: {  	s0 =	rddreg [dreg:$0x0];
	s2 =	stileid.u32  }
0x26: {  	s1 =	rddreg [dreg:$0x1];
	p0 =	sne.s32 s2, $0x0  }
0x27: {  	s3 =	rddreg [dreg:$0x2];
	[bflag:$0x3] =	sbarrier.arrive $0xFFFF;
	s2 =	simm.s32 @!p0 $0x1C01  }
0x28: {  	[timem:s3], [sflag:s2] =	dma.local @!p0 [hbm:s0], s1  }
0x29: {  	s0 =	simm.s32 @!p0 $0x1  }
0x2a: {  	_ =	swait.ge @!p0 [sflag:s0], s1  }
0x2b: {  	s1 =	ssub.s32 @!p0 $0x0, s1;
	[sflag:s0] =	ssyncset.done @!p0 $0x0  }
0x2c: {  	[sflag:s0] =	ssyncadd.s32 @!p0 s1  }
0x2d: {  	[bflag:$0x3] =	sbarrier.arrive $0xFFFF  }
0x2e: {  	_ =	shalt  }

</sc_bundles>
